<compile_context>
chip_gen: v7x
topology: tpu7x:2x2x1
jax: 0.10.2.dev20260603
libtpu: 0.0.44.dev20260713+nightly
codegen_flags: <defaults>
</compile_context>

<pallas_src>
import functools

import jax
import jax.numpy as jnp
from jax import lax
from jax.experimental import pallas as pl
from jax.experimental.pallas import tpu as pltpu
from jax.experimental.pallas import tpu_sc as plsc

B = 16384
L = 4
VOCAB = 6
EMB = 100
OUT = 2
NSET = 1 << VOCAB

NC = 1
NS = 16
LANES = 16
NW = NC * NS
RPW = B // NW
GROUPS = RPW // LANES

DPAD = 128
NCHUNK = 7
SUBS = NSET // NS

_FMIN = -3.4028235e38


def _sc_body(x_hbm, par_hbm, out_hbm, xv, pv, stagev, lutv, outv, mv, shared, sem):
    cid = lax.axis_index("c")
    sid = lax.axis_index("s")
    wid = sid * NC + cid
    base = wid * RPW

    xcopy = pltpu.async_copy(x_hbm.at[pl.ds(base * L, RPW * L)], xv, sem)
    pltpu.sync_copy(par_hbm, pv)

    lane = lax.iota(jnp.int32, LANES)

    def lut_step(k, stage):
        s = sid * SUBS + k
        szero = jnp.full((LANES,), s == 0)
        sel0 = jnp.full((LANES,), (k & 1) == 1)
        sel1 = jnp.full((LANES,), (k & 2) == 2)
        l0 = jnp.full((LANES,), 0.0, jnp.float32)
        l1 = jnp.full((LANES,), 0.0, jnp.float32)
        for c in range(NCHUNK):
            pool = jnp.full((LANES,), _FMIN, jnp.float32)
            for v in range(2, VOCAB):
                sel = jnp.full((LANES,), ((sid >> (v - 2)) & 1) == 1)
                tv = pv[pl.ds(v * DPAD + c * LANES, LANES)]
                pool = jnp.where(sel, jnp.maximum(pool, tv), pool)
            t0 = pv[pl.ds(c * LANES, LANES)]
            t1 = pv[pl.ds(DPAD + c * LANES, LANES)]
            pool = jnp.where(sel0, jnp.maximum(pool, t0), pool)
            pool = jnp.where(sel1, jnp.maximum(pool, t1), pool)
            pool = jnp.where(szero, 0.0, pool)
            l0 = l0 + pool * pv[pl.ds(VOCAB * DPAD + c * LANES, LANES)]
            l1 = l1 + pool * pv[pl.ds(VOCAB * DPAD + DPAD + c * LANES, LANES)]
        a0 = jnp.full((LANES,), jnp.sum(l0))
        a1 = jnp.full((LANES,), jnp.sum(l1))
        mx = jnp.maximum(a0, a1)
        e0 = jnp.exp(a0 - mx)
        e1 = jnp.exp(a1 - mx)
        tot = e0 + e1
        stage = jnp.where(lane == 2 * k, e0 / tot, stage)
        return jnp.where(lane == 2 * k + 1, e1 / tot, stage)

    stagev[...] = lax.fori_loop(
        0, SUBS, lut_step, jnp.full((LANES,), 0.0, jnp.float32)
    )

    pltpu.sync_copy(stagev, shared.at[pl.ds(sid * LANES, LANES)])

    xcopy.wait()

    one = jnp.full((LANES,), 1, jnp.int32)

    def mask_step(i, _):
        blk = i >> 3
        sub = (i & 7) * LANES
        xoff = blk * (128 * L) + sub
        x0 = xv[pl.ds(xoff, LANES)]
        x1 = xv[pl.ds(xoff + 128, LANES)]
        x2 = xv[pl.ds(xoff + 256, LANES)]
        x3 = xv[pl.ds(xoff + 384, LANES)]
        m = (one << x0) | (one << x1) | (one << x2) | (one << x3)
        loc = (m >> 2) * LANES + (m & 3) * 2
        mv[pl.ds(i * LANES, LANES)] = loc
        return 0

    lax.fori_loop(0, GROUPS, mask_step, 0)

    plsc.subcore_barrier()
    pltpu.sync_copy(shared, lutv)

    def gather_step(i, _):
        blk = i >> 3
        sub = (i & 7) * LANES
        loc = mv[pl.ds(i * LANES, LANES)]
        p0 = plsc.load_gather(lutv, [loc])
        p1 = plsc.load_gather(lutv, [loc + 1])
        ooff = blk * (128 * OUT) + sub
        outv[pl.ds(ooff, LANES)] = p0
        outv[pl.ds(ooff + 128, LANES)] = p1
        return 0

    lax.fori_loop(0, GROUPS, gather_step, 0)
    pltpu.sync_copy(outv, out_hbm.at[pl.ds(base * OUT, RPW * OUT)])


@functools.lru_cache(maxsize=None)
def _make_sc_call():
    return pl.kernel(
        _sc_body,
        out_type=jax.ShapeDtypeStruct((B * OUT,), jnp.float32),
        mesh=plsc.VectorSubcoreMesh(
            core_axis_name="c", subcore_axis_name="s", num_cores=NC
        ),
        compiler_params=pltpu.CompilerParams(needs_layout_passes=False),
        scratch_types=[
            pltpu.VMEM((RPW * L,), jnp.int32),
            pltpu.VMEM(((VOCAB + OUT) * DPAD,), jnp.float32),
            pltpu.VMEM((LANES,), jnp.float32),
            pltpu.VMEM((NS * LANES,), jnp.float32),
            pltpu.VMEM((RPW * OUT,), jnp.float32),
            pltpu.VMEM((RPW,), jnp.int32),
            pltpu.VMEM_SHARED((NS * LANES,), jnp.float32),
            pltpu.SemaphoreType.DMA,
        ],
    )


@jax.jit
def kernel(x, emb_table, W, b):
    x = x.astype(jnp.int32)
    top = jnp.concatenate(
        [emb_table, jnp.ones((VOCAB, 1)), jnp.zeros((VOCAB, DPAD - EMB - 1))],
        axis=1,
        dtype=jnp.float32,
    )
    bot = jnp.concatenate(
        [W.T, b[:, None], jnp.zeros((OUT, DPAD - EMB - 1))],
        axis=1,
        dtype=jnp.float32,
    )
    par = jnp.concatenate([top, bot], axis=0)
    xp = x.reshape(B // 128, 128, L).transpose(0, 2, 1).reshape(B * L)
    out = _make_sc_call()(xp, par.reshape((VOCAB + OUT) * DPAD))
    return out.reshape(B // 128, OUT, 128).transpose(0, 2, 1).reshape(B, OUT)

# --- scband reference (transcript-rebuilt; emitter-appended) ---
"""Pipeline reference for scband-my-model-60181081751687 (READ-ONLY COPY).

The authoritative reference and input builder live on the scoring server;
editing this copy changes nothing except your own understanding.
"""

import jax, jax.numpy as jnp
import numpy as np

B = 16384
L = 4
VOCAB = 6
EMB = 100
OUT = 2

def setup_inputs(seed: int = 0) -> dict:
    key = jax.random.key(seed)
    k1, k2, k3, k4 = jax.random.split(key, 4)
    x = jax.random.randint(k1, (B, L), 0, VOCAB)
    emb_table = jax.random.normal(k2, (VOCAB, EMB), dtype=jnp.float32)
    W = jax.random.normal(k3, (EMB, OUT), dtype=jnp.float32) * (1.0 / np.sqrt(EMB))
    b = jnp.zeros((OUT,), dtype=jnp.float32)
    return {"x": x, "emb_table": emb_table, "W": W, "b": b}

def reference(x, emb_table, W, b):
    # nn.Embedding: gather rows of the table
    e = jnp.take(emb_table, x, axis=0)            # [B, L, EMB]
    # transpose(1,2) -> [B, EMB, L]; MaxPool1d(4) over L=4 -> [B, EMB, 1]; squeeze(2)
    # equivalent: max over the sequence axis
    pooled = jnp.max(e, axis=1)                   # [B, EMB]
    logits = pooled @ W + b                       # [B, 2]
    return jax.nn.softmax(logits, axis=-1)

if __name__ == "__main__":
    import jax
    _d = setup_inputs()
    print(jax.jit(kernel)(*tuple(_d.values())))

</pallas_src>

<mosaic_0001>
#map = affine_map<(d0, d1) -> (0)>
module attributes {stable_mosaic.version = 14 : i64} {
  func.func @_sc_body(%arg0: i32, %arg1: i32, %arg2: memref<65536xi32, #tpu.memory_space<hbm>>, %arg3: memref<1024xf32, #tpu.memory_space<hbm>>, %arg4: memref<32768xf32, #tpu.memory_space<hbm>>, %arg5: memref<4096xi32, #tpu.memory_space<vmem>>, %arg6: memref<1024xf32, #tpu.memory_space<vmem>>, %arg7: memref<16xf32, #tpu.memory_space<vmem>>, %arg8: memref<256xf32, #tpu.memory_space<vmem>>, %arg9: memref<2048xf32, #tpu.memory_space<vmem>>, %arg10: memref<1024xi32, #tpu.memory_space<vmem>>, %arg11: memref<256xf32, #tpu.memory_space<vmem_shared>>, %arg12: memref<!tpu.dma_semaphore, #tpu.memory_space<semaphore_mem>>) attributes {dimension_semantics = [#tpu.dimension_semantics<core_parallel>, #tpu.dimension_semantics<subcore_parallel>], iteration_bounds = array<i64: 1, 16>, scalar_prefetch = 0 : i64, scratch_operands = 8 : i64, tpu.core_type = #tpu.core_type<sc_vector_subcore>, window_params = [{transform_indices = #map}, {transform_indices = #map}, {transform_indices = #map}]} {
    %mul3A = arith.constant 1 : i32
    %mul3A_0 = arith.muli %arg1, %mul3A : i32
    %add3A = arith.addi %mul3A_0, %arg0 : i32
    %mul3A_1 = arith.constant 1024 : i32
    %mul3A_2 = arith.muli %add3A, %mul3A_1 : i32
    %mul3A_3 = arith.constant 4 : i32
    %mul3A_4 = arith.muli %mul3A_2, %mul3A_3 : i32
    %dma_start3A = tpu.memref_slice %arg2[%mul3A_4] : memref<65536xi32, #tpu.memory_space<hbm>> -> memref<4096xi32, #tpu.memory_space<hbm>>
    %dma_start3A_5 = tpu.memref_slice %arg2[%mul3A_4] : memref<65536xi32, #tpu.memory_space<hbm>> -> memref<4096xi32, #tpu.memory_space<hbm>>
    tpu.enqueue_dma source(%dma_start3A_5 : memref<4096xi32, #tpu.memory_space<hbm>>) target(%arg5 : memref<4096xi32, #tpu.memory_space<vmem>>) target_semaphore(%arg12 : memref<!tpu.dma_semaphore, #tpu.memory_space<semaphore_mem>>)
    "tpu.region"() ({
      %run_scoped3A = tpu.sem_alloc : memref<!tpu.dma_semaphore, #tpu.memory_space<semaphore_mem>>
      tpu.enqueue_dma source(%arg3 : memref<1024xf32, #tpu.memory_space<hbm>>) target(%arg6 : memref<1024xf32, #tpu.memory_space<vmem>>) target_semaphore(%run_scoped3A : memref<!tpu.dma_semaphore, #tpu.memory_space<semaphore_mem>>)
      tpu.wait_dma2 semaphore(%run_scoped3A : memref<!tpu.dma_semaphore, #tpu.memory_space<semaphore_mem>>) src(%arg3 : memref<1024xf32, #tpu.memory_space<hbm>>) dst(%arg6 : memref<1024xf32, #tpu.memory_space<vmem>>)
      tpu.yield
    }) : () -> ()
    %iota3A = tpu.iota {dimensions = array<i32: 0>} : vector<16xi32>
    %broadcast_in_dim3A = arith.constant 0.000000e+00 : f32
    %broadcast_in_dim3A_6 = vector.broadcast %broadcast_in_dim3A : f32 to vector<16xf32>
    %scan3A = arith.constant 0 : i32
    %scan3A_7 = arith.constant 4 : i32
    %scan3A_8 = arith.addi %scan3A, %scan3A_7 : i32
    %scan3A_9 = arith.constant 1 : i32
    %scan3A_10 = scf.for %scan3A_34 = %scan3A to %scan3A_8 step %scan3A_9 iter_args(%scan3A_35 = %broadcast_in_dim3A_6) -> (vector<16xf32>)  : i32 {
      %mul3A_36 = arith.constant 4 : i32
      %mul3A_37 = arith.muli %arg1, %mul3A_36 : i32
      %add3A_38 = arith.addi %mul3A_37, %scan3A_34 : i32
      %eq3A = arith.constant 0 : i32
      %eq3A_39 = arith.cmpi eq, %add3A_38, %eq3A : i32
      %broadcast_in_dim3A_40 = vector.broadcast %eq3A_39 : i1 to vector<16xi1>
      %and3A = arith.constant 1 : i32
      %and3A_41 = arith.andi %scan3A_34, %and3A : i32
      %eq3A_42 = arith.constant 1 : i32
      %eq3A_43 = arith.cmpi eq, %and3A_41, %eq3A_42 : i32
      %broadcast_in_dim3A_44 = vector.broadcast %eq3A_43 : i1 to vector<16xi1>
      %and3A_45 = arith.constant 2 : i32
      %and3A_46 = arith.andi %scan3A_34, %and3A_45 : i32
      %eq3A_47 = arith.constant 2 : i32
      %eq3A_48 = arith.cmpi eq, %and3A_46, %eq3A_47 : i32
      %broadcast_in_dim3A_49 = vector.broadcast %eq3A_48 : i1 to vector<16xi1>
      %broadcast_in_dim3A_50 = arith.constant 0.000000e+00 : f32
      %broadcast_in_dim3A_51 = vector.broadcast %broadcast_in_dim3A_50 : f32 to vector<16xf32>
      %broadcast_in_dim3A_52 = arith.constant 0.000000e+00 : f32
      %broadcast_in_dim3A_53 = vector.broadcast %broadcast_in_dim3A_52 : f32 to vector<16xf32>
      %broadcast_in_dim3A_54 = arith.constant -3.40282347E+38 : f32
      %broadcast_in_dim3A_55 = vector.broadcast %broadcast_in_dim3A_54 : f32 to vector<16xf32>
      %shift_right_arithmetic3A = arith.constant 0 : i32
      %shift_right_arithmetic3A_56 = arith.shrsi %arg1, %shift_right_arithmetic3A : i32
      %and3A_57 = arith.constant 1 : i32
      %and3A_58 = arith.andi %shift_right_arithmetic3A_56, %and3A_57 : i32
      %eq3A_59 = arith.constant 1 : i32
      %eq3A_60 = arith.cmpi eq, %and3A_58, %eq3A_59 : i32
      %broadcast_in_dim3A_61 = vector.broadcast %eq3A_60 : i1 to vector<16xi1>
      %get3A = arith.constant 256 : index
      %get3A_62 = tpu.vector_load %arg6[%get3A] {strides = array<i32>} : memref<1024xf32, #tpu.memory_space<vmem>>, vector<16xf32>,
      %max3A = arith.maximumf %broadcast_in_dim3A_55, %get3A_62 : vector<16xf32>
      %select_n3A = arith.select %broadcast_in_dim3A_61, %max3A, %broadcast_in_dim3A_55 : vector<16xi1>, vector<16xf32>
      %shift_right_arithmetic3A_63 = arith.constant 1 : i32
      %shift_right_arithmetic3A_64 = arith.shrsi %arg1, %shift_right_arithmetic3A_63 : i32
      %and3A_65 = arith.constant 1 : i32
      %and3A_66 = arith.andi %shift_right_arithmetic3A_64, %and3A_65 : i32
      %eq3A_67 = arith.constant 1 : i32
      %eq3A_68 = arith.cmpi eq, %and3A_66, %eq3A_67 : i32
      %broadcast_in_dim3A_69 = vector.broadcast %eq3A_68 : i1 to vector<16xi1>
      %get3A_70 = arith.constant 384 : index
      %get3A_71 = tpu.vector_load %arg6[%get3A_70] {strides = array<i32>} : memref<1024xf32, #tpu.memory_space<vmem>>, vector<16xf32>,
      %max3A_72 = arith.maximumf %select_n3A, %get3A_71 : vector<16xf32>
      %select_n3A_73 = arith.select %broadcast_in_dim3A_69, %max3A_72, %select_n3A : vector<16xi1>, vector<16xf32>
      %shift_right_arithmetic3A_74 = arith.constant 2 : i32
      %shift_right_arithmetic3A_75 = arith.shrsi %arg1, %shift_right_arithmetic3A_74 : i32
      %and3A_76 = arith.constant 1 : i32
      %and3A_77 = arith.andi %shift_right_arithmetic3A_75, %and3A_76 : i32
      %eq3A_78 = arith.constant 1 : i32
      %eq3A_79 = arith.cmpi eq, %and3A_77, %eq3A_78 : i32
      %broadcast_in_dim3A_80 = vector.broadcast %eq3A_79 : i1 to vector<16xi1>
      %get3A_81 = arith.constant 512 : index
      %get3A_82 = tpu.vector_load %arg6[%get3A_81] {strides = array<i32>} : memref<1024xf32, #tpu.memory_space<vmem>>, vector<16xf32>,
      %max3A_83 = arith.maximumf %select_n3A_73, %get3A_82 : vector<16xf32>
      %select_n3A_84 = arith.select %broadcast_in_dim3A_80, %max3A_83, %select_n3A_73 : vector<16xi1>, vector<16xf32>
      %shift_right_arithmetic3A_85 = arith.constant 3 : i32
      %shift_right_arithmetic3A_86 = arith.shrsi %arg1, %shift_right_arithmetic3A_85 : i32
      %and3A_87 = arith.constant 1 : i32
      %and3A_88 = arith.andi %shift_right_arithmetic3A_86, %and3A_87 : i32
      %eq3A_89 = arith.constant 1 : i32
      %eq3A_90 = arith.cmpi eq, %and3A_88, %eq3A_89 : i32
      %broadcast_in_dim3A_91 = vector.broadcast %eq3A_90 : i1 to vector<16xi1>
      %get3A_92 = arith.constant 640 : index
      %get3A_93 = tpu.vector_load %arg6[%get3A_92] {strides = array<i32>} : memref<1024xf32, #tpu.memory_space<vmem>>, vector<16xf32>,
      %max3A_94 = arith.maximumf %select_n3A_84, %get3A_93 : vector<16xf32>
      %select_n3A_95 = arith.select %broadcast_in_dim3A_91, %max3A_94, %select_n3A_84 : vector<16xi1>, vector<16xf32>
      %get3A_96 = arith.constant 0 : index
      %get3A_97 = tpu.vector_load %arg6[%get3A_96] {strides = array<i32>} : memref<1024xf32, #tpu.memory_space<vmem>>, vector<16xf32>,
      %get3A_98 = arith.constant 128 : index
      %get3A_99 = tpu.vector_load %arg6[%get3A_98] {strides = array<i32>} : memref<1024xf32, #tpu.memory_space<vmem>>, vector<16xf32>,
      %max3A_100 = arith.maximumf %select_n3A_95, %get3A_97 : vector<16xf32>
      %select_n3A_101 = arith.select %broadcast_in_dim3A_44, %max3A_100, %select_n3A_95 : vector<16xi1>, vector<16xf32>
      %max3A_102 = arith.maximumf %select_n3A_101, %get3A_99 : vector<16xf32>
      %select_n3A_103 = arith.select %broadcast_in_dim3A_49, %max3A_102, %select_n3A_101 : vector<16xi1>, vector<16xf32>
      %jit3A = arith.constant 0.000000e+00 : f32
      %broadcast_in_dim3A_104 = vector.broadcast %jit3A : f32 to vector<16xf32>
      %select_n3A_105 = arith.select %broadcast_in_dim3A_40, %broadcast_in_dim3A_104, %select_n3A_103 : vector<16xi1>, vector<16xf32>
      %get3A_106 = arith.constant 768 : index
      %get3A_107 = tpu.vector_load %arg6[%get3A_106] {strides = array<i32>} : memref<1024xf32, #tpu.memory_space<vmem>>, vector<16xf32>,
      %mul3A_108 = arith.mulf %select_n3A_105, %get3A_107 : vector<16xf32>
      %add3A_109 = arith.addf %broadcast_in_dim3A_51, %mul3A_108 : vector<16xf32>
      %get3A_110 = arith.constant 896 : index
      %get3A_111 = tpu.vector_load %arg6[%get3A_110] {strides = array<i32>} : memref<1024xf32, #tpu.memory_space<vmem>>, vector<16xf32>,
      %mul3A_112 = arith.mulf %select_n3A_105, %get3A_111 : vector<16xf32>
      %add3A_113 = arith.addf %broadcast_in_dim3A_53, %mul3A_112 : vector<16xf32>
      %broadcast_in_dim3A_114 = arith.constant -3.40282347E+38 : f32
      %broadcast_in_dim3A_115 = vector.broadcast %broadcast_in_dim3A_114 : f32 to vector<16xf32>
      %shift_right_arithmetic3A_116 = arith.constant 0 : i32
      %shift_right_arithmetic3A_117 = arith.shrsi %arg1, %shift_right_arithmetic3A_116 : i32
      %and3A_118 = arith.constant 1 : i32
      %and3A_119 = arith.andi %shift_right_arithmetic3A_117, %and3A_118 : i32
      %eq3A_120 = arith.constant 1 : i32
      %eq3A_121 = arith.cmpi eq, %and3A_119, %eq3A_120 : i32
      %broadcast_in_dim3A_122 = vector.broadcast %eq3A_121 : i1 to vector<16xi1>
      %get3A_123 = arith.constant 272 : index
      %get3A_124 = tpu.vector_load %arg6[%get3A_123] {strides = array<i32>} : memref<1024xf32, #tpu.memory_space<vmem>>, vector<16xf32>,
      %max3A_125 = arith.maximumf %broadcast_in_dim3A_115, %get3A_124 : vector<16xf32>
      %select_n3A_126 = arith.select %broadcast_in_dim3A_122, %max3A_125, %broadcast_in_dim3A_115 : vector<16xi1>, vector<16xf32>
      %shift_right_arithmetic3A_127 = arith.constant 1 : i32
      %shift_right_arithmetic3A_128 = arith.shrsi %arg1, %shift_right_arithmetic3A_127 : i32
      %and3A_129 = arith.constant 1 : i32
      %and3A_130 = arith.andi %shift_right_arithmetic3A_128, %and3A_129 : i32
      %eq3A_131 = arith.constant 1 : i32
      %eq3A_132 = arith.cmpi eq, %and3A_130, %eq3A_131 : i32
      %broadcast_in_dim3A_133 = vector.broadcast %eq3A_132 : i1 to vector<16xi1>
      %get3A_134 = arith.constant 400 : index
      %get3A_135 = tpu.vector_load %arg6[%get3A_134] {strides = array<i32>} : memref<1024xf32, #tpu.memory_space<vmem>>, vector<16xf32>,
      %max3A_136 = arith.maximumf %select_n3A_126, %get3A_135 : vector<16xf32>
      %select_n3A_137 = arith.select %broadcast_in_dim3A_133, %max3A_136, %select_n3A_126 : vector<16xi1>, vector<16xf32>
      %shift_right_arithmetic3A_138 = arith.constant 2 : i32
      %shift_right_arithmetic3A_139 = arith.shrsi %arg1, %shift_right_arithmetic3A_138 : i32
      %and3A_140 = arith.constant 1 : i32
      %and3A_141 = arith.andi %shift_right_arithmetic3A_139, %and3A_140 : i32
      %eq3A_142 = arith.constant 1 : i32
      %eq3A_143 = arith.cmpi eq, %and3A_141, %eq3A_142 : i32
      %broadcast_in_dim3A_144 = vector.broadcast %eq3A_143 : i1 to vector<16xi1>
      %get3A_145 = arith.constant 528 : index
      %get3A_146 = tpu.vector_load %arg6[%get3A_145] {strides = array<i32>} : memref<1024xf32, #tpu.memory_space<vmem>>, vector<16xf32>,
      %max3A_147 = arith.maximumf %select_n3A_137, %get3A_146 : vector<16xf32>
      %select_n3A_148 = arith.select %broadcast_in_dim3A_144, %max3A_147, %select_n3A_137 : vector<16xi1>, vector<16xf32>
      %shift_right_arithmetic3A_149 = arith.constant 3 : i32
      %shift_right_arithmetic3A_150 = arith.shrsi %arg1, %shift_right_arithmetic3A_149 : i32
      %and3A_151 = arith.constant 1 : i32
      %and3A_152 = arith.andi %shift_right_arithmetic3A_150, %and3A_151 : i32
      %eq3A_153 = arith.constant 1 : i32
      %eq3A_154 = arith.cmpi eq, %and3A_152, %eq3A_153 : i32
      %broadcast_in_dim3A_155 = vector.broadcast %eq3A_154 : i1 to vector<16xi1>
      %get3A_156 = arith.constant 656 : index
      %get3A_157 = tpu.vector_load %arg6[%get3A_156] {strides = array<i32>} : memref<1024xf32, #tpu.memory_space<vmem>>, vector<16xf32>,
      %max3A_158 = arith.maximumf %select_n3A_148, %get3A_157 : vector<16xf32>
      %select_n3A_159 = arith.select %broadcast_in_dim3A_155, %max3A_158, %select_n3A_148 : vector<16xi1>, vector<16xf32>
      %get3A_160 = arith.constant 16 : index
      %get3A_161 = tpu.vector_load %arg6[%get3A_160] {strides = array<i32>} : memref<1024xf32, #tpu.memory_space<vmem>>, vector<16xf32>,
      %get3A_162 = arith.constant 144 : index
      %get3A_163 = tpu.vector_load %arg6[%get3A_162] {strides = array<i32>} : memref<1024xf32, #tpu.memory_space<vmem>>, vector<16xf32>,
      %max3A_164 = arith.maximumf %select_n3A_159, %get3A_161 : vector<16xf32>
      %select_n3A_165 = arith.select %broadcast_in_dim3A_44, %max3A_164, %select_n3A_159 : vector<16xi1>, vector<16xf32>
      %max3A_166 = arith.maximumf %select_n3A_165, %get3A_163 : vector<16xf32>
      %select_n3A_167 = arith.select %broadcast_in_dim3A_49, %max3A_166, %select_n3A_165 : vector<16xi1>, vector<16xf32>
      %jit3A_168 = arith.constant 0.000000e+00 : f32
      %broadcast_in_dim3A_169 = vector.broadcast %jit3A_168 : f32 to vector<16xf32>
      %select_n3A_170 = arith.select %broadcast_in_dim3A_40, %broadcast_in_dim3A_169, %select_n3A_167 : vector<16xi1>, vector<16xf32>
      %get3A_171 = arith.constant 784 : index
      %get3A_172 = tpu.vector_load %arg6[%get3A_171] {strides = array<i32>} : memref<1024xf32, #tpu.memory_space<vmem>>, vector<16xf32>,
      %mul3A_173 = arith.mulf %select_n3A_170, %get3A_172 : vector<16xf32>
      %add3A_174 = arith.addf %add3A_109, %mul3A_173 : vector<16xf32>
      %get3A_175 = arith.constant 912 : index
      %get3A_176 = tpu.vector_load %arg6[%get3A_175] {strides = array<i32>} : memref<1024xf32, #tpu.memory_space<vmem>>, vector<16xf32>,
      %mul3A_177 = arith.mulf %select_n3A_170, %get3A_176 : vector<16xf32>
      %add3A_178 = arith.addf %add3A_113, %mul3A_177 : vector<16xf32>
      %broadcast_in_dim3A_179 = arith.constant -3.40282347E+38 : f32
      %broadcast_in_dim3A_180 = vector.broadcast %broadcast_in_dim3A_179 : f32 to vector<16xf32>
      %shift_right_arithmetic3A_181 = arith.constant 0 : i32
      %shift_right_arithmetic3A_182 = arith.shrsi %arg1, %shift_right_arithmetic3A_181 : i32
      %and3A_183 = arith.constant 1 : i32
      %and3A_184 = arith.andi %shift_right_arithmetic3A_182, %and3A_183 : i32
      %eq3A_185 = arith.constant 1 : i32
      %eq3A_186 = arith.cmpi eq, %and3A_184, %eq3A_185 : i32
      %broadcast_in_dim3A_187 = vector.broadcast %eq3A_186 : i1 to vector<16xi1>
      %get3A_188 = arith.constant 288 : index
      %get3A_189 = tpu.vector_load %arg6[%get3A_188] {strides = array<i32>} : memref<1024xf32, #tpu.memory_space<vmem>>, vector<16xf32>,
      %max3A_190 = arith.maximumf %broadcast_in_dim3A_180, %get3A_189 : vector<16xf32>
      %select_n3A_191 = arith.select %broadcast_in_dim3A_187, %max3A_190, %broadcast_in_dim3A_180 : vector<16xi1>, vector<16xf32>
      %shift_right_arithmetic3A_192 = arith.constant 1 : i32
      %shift_right_arithmetic3A_193 = arith.shrsi %arg1, %shift_right_arithmetic3A_192 : i32
      %and3A_194 = arith.constant 1 : i32
      %and3A_195 = arith.andi %shift_right_arithmetic3A_193, %and3A_194 : i32
      %eq3A_196 = arith.constant 1 : i32
      %eq3A_197 = arith.cmpi eq, %and3A_195, %eq3A_196 : i32
      %broadcast_in_dim3A_198 = vector.broadcast %eq3A_197 : i1 to vector<16xi1>
      %get3A_199 = arith.constant 416 : index
      %get3A_200 = tpu.vector_load %arg6[%get3A_199] {strides = array<i32>} : memref<1024xf32, #tpu.memory_space<vmem>>, vector<16xf32>,
      %max3A_201 = arith.maximumf %select_n3A_191, %get3A_200 : vector<16xf32>
      %select_n3A_202 = arith.select %broadcast_in_dim3A_198, %max3A_201, %select_n3A_191 : vector<16xi1>, vector<16xf32>
      %shift_right_arithmetic3A_203 = arith.constant 2 : i32
      %shift_right_arithmetic3A_204 = arith.shrsi %arg1, %shift_right_arithmetic3A_203 : i32
      %and3A_205 = arith.constant 1 : i32
      %and3A_206 = arith.andi %shift_right_arithmetic3A_204, %and3A_205 : i32
      %eq3A_207 = arith.constant 1 : i32
      %eq3A_208 = arith.cmpi eq, %and3A_206, %eq3A_207 : i32
      %broadcast_in_dim3A_209 = vector.broadcast %eq3A_208 : i1 to vector<16xi1>
      %get3A_210 = arith.constant 544 : index
      %get3A_211 = tpu.vector_load %arg6[%get3A_210] {strides = array<i32>} : memref<1024xf32, #tpu.memory_space<vmem>>, vector<16xf32>,
      %max3A_212 = arith.maximumf %select_n3A_202, %get3A_211 : vector<16xf32>
      %select_n3A_213 = arith.select %broadcast_in_dim3A_209, %max3A_212, %select_n3A_202 : vector<16xi1>, vector<16xf32>
      %shift_right_arithmetic3A_214 = arith.constant 3 : i32
      %shift_right_arithmetic3A_215 = arith.shrsi %arg1, %shift_right_arithmetic3A_214 : i32
      %and3A_216 = arith.constant 1 : i32
      %and3A_217 = arith.andi %shift_right_arithmetic3A_215, %and3A_216 : i32
      %eq3A_218 = arith.constant 1 : i32
      %eq3A_219 = arith.cmpi eq, %and3A_217, %eq3A_218 : i32
      %broadcast_in_dim3A_220 = vector.broadcast %eq3A_219 : i1 to vector<16xi1>
      %get3A_221 = arith.constant 672 : index
      %get3A_222 = tpu.vector_load %arg6[%get3A_221] {strides = array<i32>} : memref<1024xf32, #tpu.memory_space<vmem>>, vector<16xf32>,
      %max3A_223 = arith.maximumf %select_n3A_213, %get3A_222 : vector<16xf32>
      %select_n3A_224 = arith.select %broadcast_in_dim3A_220, %max3A_223, %select_n3A_213 : vector<16xi1>, vector<16xf32>
      %get3A_225 = arith.constant 32 : index
      %get3A_226 = tpu.vector_load %arg6[%get3A_225] {strides = array<i32>} : memref<1024xf32, #tpu.memory_space<vmem>>, vector<16xf32>,
      %get3A_227 = arith.constant 160 : index
      %get3A_228 = tpu.vector_load %arg6[%get3A_227] {strides = array<i32>} : memref<1024xf32, #tpu.memory_space<vmem>>, vector<16xf32>,
      %max3A_229 = arith.maximumf %select_n3A_224, %get3A_226 : vector<16xf32>
      %select_n3A_230 = arith.select %broadcast_in_dim3A_44, %max3A_229, %select_n3A_224 : vector<16xi1>, vector<16xf32>
      %max3A_231 = arith.maximumf %select_n3A_230, %get3A_228 : vector<16xf32>
      %select_n3A_232 = arith.select %broadcast_in_dim3A_49, %max3A_231, %select_n3A_230 : vector<16xi1>, vector<16xf32>
      %jit3A_233 = arith.constant 0.000000e+00 : f32
      %broadcast_in_dim3A_234 = vector.broadcast %jit3A_233 : f32 to vector<16xf32>
      %select_n3A_235 = arith.select %broadcast_in_dim3A_40, %broadcast_in_dim3A_234, %select_n3A_232 : vector<16xi1>, vector<16xf32>
      %get3A_236 = arith.constant 800 : index
      %get3A_237 = tpu.vector_load %arg6[%get3A_236] {strides = array<i32>} : memref<1024xf32, #tpu.memory_space<vmem>>, vector<16xf32>,
      %mul3A_238 = arith.mulf %select_n3A_235, %get3A_237 : vector<16xf32>
      %add3A_239 = arith.addf %add3A_174, %mul3A_238 : vector<16xf32>
      %get3A_240 = arith.constant 928 : index
      %get3A_241 = tpu.vector_load %arg6[%get3A_240] {strides = array<i32>} : memref<1024xf32, #tpu.memory_space<vmem>>, vector<16xf32>,
      %mul3A_242 = arith.mulf %select_n3A_235, %get3A_241 : vector<16xf32>
      %add3A_243 = arith.addf %add3A_178, %mul3A_242 : vector<16xf32>
      %broadcast_in_dim3A_244 = arith.constant -3.40282347E+38 : f32
      %broadcast_in_dim3A_245 = vector.broadcast %broadcast_in_dim3A_244 : f32 to vector<16xf32>
      %shift_right_arithmetic3A_246 = arith.constant 0 : i32
      %shift_right_arithmetic3A_247 = arith.shrsi %arg1, %shift_right_arithmetic3A_246 : i32
      %and3A_248 = arith.constant 1 : i32
      %and3A_249 = arith.andi %shift_right_arithmetic3A_247, %and3A_248 : i32
      %eq3A_250 = arith.constant 1 : i32
      %eq3A_251 = arith.cmpi eq, %and3A_249, %eq3A_250 : i32
      %broadcast_in_dim3A_252 = vector.broadcast %eq3A_251 : i1 to vector<16xi1>
      %get3A_253 = arith.constant 304 : index
      %get3A_254 = tpu.vector_load %arg6[%get3A_253] {strides = array<i32>} : memref<1024xf32, #tpu.memory_space<vmem>>, vector<16xf32>,
      %max3A_255 = arith.maximumf %broadcast_in_dim3A_245, %get3A_254 : vector<16xf32>
      %select_n3A_256 = arith.select %broadcast_in_dim3A_252, %max3A_255, %broadcast_in_dim3A_245 : vector<16xi1>, vector<16xf32>
      %shift_right_arithmetic3A_257 = arith.constant 1 : i32
      %shift_right_arithmetic3A_258 = arith.shrsi %arg1, %shift_right_arithmetic3A_257 : i32
      %and3A_259 = arith.constant 1 : i32
      %and3A_260 = arith.andi %shift_right_arithmetic3A_258, %and3A_259 : i32
      %eq3A_261 = arith.constant 1 : i32
      %eq3A_262 = arith.cmpi eq, %and3A_260, %eq3A_261 : i32
      %broadcast_in_dim3A_263 = vector.broadcast %eq3A_262 : i1 to vector<16xi1>
      %get3A_264 = arith.constant 432 : index
      %get3A_265 = tpu.vector_load %arg6[%get3A_264] {strides = array<i32>} : memref<1024xf32, #tpu.memory_space<vmem>>, vector<16xf32>,
      %max3A_266 = arith.maximumf %select_n3A_256, %get3A_265 : vector<16xf32>
      %select_n3A_267 = arith.select %broadcast_in_dim3A_263, %max3A_266, %select_n3A_256 : vector<16xi1>, vector<16xf32>
      %shift_right_arithmetic3A_268 = arith.constant 2 : i32
      %shift_right_arithmetic3A_269 = arith.shrsi %arg1, %shift_right_arithmetic3A_268 : i32
      %and3A_270 = arith.constant 1 : i32
      %and3A_271 = arith.andi %shift_right_arithmetic3A_269, %and3A_270 : i32
      %eq3A_272 = arith.constant 1 : i32
      %eq3A_273 = arith.cmpi eq, %and3A_271, %eq3A_272 : i32
      %broadcast_in_dim3A_274 = vector.broadcast %eq3A_273 : i1 to vector<16xi1>
      %get3A_275 = arith.constant 560 : index
      %get3A_276 = tpu.vector_load %arg6[%get3A_275] {strides = array<i32>} : memref<1024xf32, #tpu.memory_space<vmem>>, vector<16xf32>,
      %max3A_277 = arith.maximumf %select_n3A_267, %get3A_276 : vector<16xf32>
      %select_n3A_278 = arith.select %broadcast_in_dim3A_274, %max3A_277, %select_n3A_267 : vector<16xi1>, vector<16xf32>
      %shift_right_arithmetic3A_279 = arith.constant 3 : i32
      %shift_right_arithmetic3A_280 = arith.shrsi %arg1, %shift_right_arithmetic3A_279 : i32
      %and3A_281 = arith.constant 1 : i32
      %and3A_282 = arith.andi %shift_right_arithmetic3A_280, %and3A_281 : i32
      %eq3A_283 = arith.constant 1 : i32
      %eq3A_284 = arith.cmpi eq, %and3A_282, %eq3A_283 : i32
      %broadcast_in_dim3A_285 = vector.broadcast %eq3A_284 : i1 to vector<16xi1>
      %get3A_286 = arith.constant 688 : index
      %get3A_287 = tpu.vector_load %arg6[%get3A_286] {strides = array<i32>} : memref<1024xf32, #tpu.memory_space<vmem>>, vector<16xf32>,
      %max3A_288 = arith.maximumf %select_n3A_278, %get3A_287 : vector<16xf32>
      %select_n3A_289 = arith.select %broadcast_in_dim3A_285, %max3A_288, %select_n3A_278 : vector<16xi1>, vector<16xf32>
      %get3A_290 = arith.constant 48 : index
      %get3A_291 = tpu.vector_load %arg6[%get3A_290] {strides = array<i32>} : memref<1024xf32, #tpu.memory_space<vmem>>, vector<16xf32>,
      %get3A_292 = arith.constant 176 : index
      %get3A_293 = tpu.vector_load %arg6[%get3A_292] {strides = array<i32>} : memref<1024xf32, #tpu.memory_space<vmem>>, vector<16xf32>,
      %max3A_294 = arith.maximumf %select_n3A_289, %get3A_291 : vector<16xf32>
      %select_n3A_295 = arith.select %broadcast_in_dim3A_44, %max3A_294, %select_n3A_289 : vector<16xi1>, vector<16xf32>
      %max3A_296 = arith.maximumf %select_n3A_295, %get3A_293 : vector<16xf32>
      %select_n3A_297 = arith.select %broadcast_in_dim3A_49, %max3A_296, %select_n3A_295 : vector<16xi1>, vector<16xf32>
      %jit3A_298 = arith.constant 0.000000e+00 : f32
      %broadcast_in_dim3A_299 = vector.broadcast %jit3A_298 : f32 to vector<16xf32>
      %select_n3A_300 = arith.select %broadcast_in_dim3A_40, %broadcast_in_dim3A_299, %select_n3A_297 : vector<16xi1>, vector<16xf32>
      %get3A_301 = arith.constant 816 : index
      %get3A_302 = tpu.vector_load %arg6[%get3A_301] {strides = array<i32>} : memref<1024xf32, #tpu.memory_space<vmem>>, vector<16xf32>,
      %mul3A_303 = arith.mulf %select_n3A_300, %get3A_302 : vector<16xf32>
      %add3A_304 = arith.addf %add3A_239, %mul3A_303 : vector<16xf32>
      %get3A_305 = arith.constant 944 : index
      %get3A_306 = tpu.vector_load %arg6[%get3A_305] {strides = array<i32>} : memref<1024xf32, #tpu.memory_space<vmem>>, vector<16xf32>,
      %mul3A_307 = arith.mulf %select_n3A_300, %get3A_306 : vector<16xf32>
      %add3A_308 = arith.addf %add3A_243, %mul3A_307 : vector<16xf32>
      %broadcast_in_dim3A_309 = arith.constant -3.40282347E+38 : f32
      %broadcast_in_dim3A_310 = vector.broadcast %broadcast_in_dim3A_309 : f32 to vector<16xf32>
      %shift_right_arithmetic3A_311 = arith.constant 0 : i32
      %shift_right_arithmetic3A_312 = arith.shrsi %arg1, %shift_right_arithmetic3A_311 : i32
      %and3A_313 = arith.constant 1 : i32
      %and3A_314 = arith.andi %shift_right_arithmetic3A_312, %and3A_313 : i32
      %eq3A_315 = arith.constant 1 : i32
      %eq3A_316 = arith.cmpi eq, %and3A_314, %eq3A_315 : i32
      %broadcast_in_dim3A_317 = vector.broadcast %eq3A_316 : i1 to vector<16xi1>
      %get3A_318 = arith.constant 320 : index
      %get3A_319 = tpu.vector_load %arg6[%get3A_318] {strides = array<i32>} : memref<1024xf32, #tpu.memory_space<vmem>>, vector<16xf32>,
      %max3A_320 = arith.maximumf %broadcast_in_dim3A_310, %get3A_319 : vector<16xf32>
      %select_n3A_321 = arith.select %broadcast_in_dim3A_317, %max3A_320, %broadcast_in_dim3A_310 : vector<16xi1>, vector<16xf32>
      %shift_right_arithmetic3A_322 = arith.constant 1 : i32
      %shift_right_arithmetic3A_323 = arith.shrsi %arg1, %shift_right_arithmetic3A_322 : i32
      %and3A_324 = arith.constant 1 : i32
      %and3A_325 = arith.andi %shift_right_arithmetic3A_323, %and3A_324 : i32
      %eq3A_326 = arith.constant 1 : i32
      %eq3A_327 = arith.cmpi eq, %and3A_325, %eq3A_326 : i32
      %broadcast_in_dim3A_328 = vector.broadcast %eq3A_327 : i1 to vector<16xi1>
      %get3A_329 = arith.constant 448 : index
      %get3A_330 = tpu.vector_load %arg6[%get3A_329] {strides = array<i32>} : memref<1024xf32, #tpu.memory_space<vmem>>, vector<16xf32>,
      %max3A_331 = arith.maximumf %select_n3A_321, %get3A_330 : vector<16xf32>
      %select_n3A_332 = arith.select %broadcast_in_dim3A_328, %max3A_331, %select_n3A_321 : vector<16xi1>, vector<16xf32>
      %shift_right_arithmetic3A_333 = arith.constant 2 : i32
      %shift_right_arithmetic3A_334 = arith.shrsi %arg1, %shift_right_arithmetic3A_333 : i32
      %and3A_335 = arith.constant 1 : i32
      %and3A_336 = arith.andi %shift_right_arithmetic3A_334, %and3A_335 : i32
      %eq3A_337 = arith.constant 1 : i32
      %eq3A_338 = arith.cmpi eq, %and3A_336, %eq3A_337 : i32
      %broadcast_in_dim3A_339 = vector.broadcast %eq3A_338 : i1 to vector<16xi1>
      %get3A_340 = arith.constant 576 : index
      %get3A_341 = tpu.vector_load %arg6[%get3A_340] {strides = array<i32>} : memref<1024xf32, #tpu.memory_space<vmem>>, vector<16xf32>,
      %max3A_342 = arith.maximumf %select_n3A_332, %get3A_341 : vector<16xf32>
      %select_n3A_343 = arith.select %broadcast_in_dim3A_339, %max3A_342, %select_n3A_332 : vector<16xi1>, vector<16xf32>
      %shift_right_arithmetic3A_344 = arith.constant 3 : i32
      %shift_right_arithmetic3A_345 = arith.shrsi %arg1, %shift_right_arithmetic3A_344 : i32
      %and3A_346 = arith.constant 1 : i32
      %and3A_347 = arith.andi %shift_right_arithmetic3A_345, %and3A_346 : i32
      %eq3A_348 = arith.constant 1 : i32
      %eq3A_349 = arith.cmpi eq, %and3A_347, %eq3A_348 : i32
      %broadcast_in_dim3A_350 = vector.broadcast %eq3A_349 : i1 to vector<16xi1>
      %get3A_351 = arith.constant 704 : index
      %get3A_352 = tpu.vector_load %arg6[%get3A_351] {strides = array<i32>} : memref<1024xf32, #tpu.memory_space<vmem>>, vector<16xf32>,
      %max3A_353 = arith.maximumf %select_n3A_343, %get3A_352 : vector<16xf32>
      %select_n3A_354 = arith.select %broadcast_in_dim3A_350, %max3A_353, %select_n3A_343 : vector<16xi1>, vector<16xf32>
      %get3A_355 = arith.constant 64 : index
      %get3A_356 = tpu.vector_load %arg6[%get3A_355] {strides = array<i32>} : memref<1024xf32, #tpu.memory_space<vmem>>, vector<16xf32>,
      %get3A_357 = arith.constant 192 : index
      %get3A_358 = tpu.vector_load %arg6[%get3A_357] {strides = array<i32>} : memref<1024xf32, #tpu.memory_space<vmem>>, vector<16xf32>,
      %max3A_359 = arith.maximumf %select_n3A_354, %get3A_356 : vector<16xf32>
      %select_n3A_360 = arith.select %broadcast_in_dim3A_44, %max3A_359, %select_n3A_354 : vector<16xi1>, vector<16xf32>
      %max3A_361 = arith.maximumf %select_n3A_360, %get3A_358 : vector<16xf32>
      %select_n3A_362 = arith.select %broadcast_in_dim3A_49, %max3A_361, %select_n3A_360 : vector<16xi1>, vector<16xf32>
      %jit3A_363 = arith.constant 0.000000e+00 : f32
      %broadcast_in_dim3A_364 = vector.broadcast %jit3A_363 : f32 to vector<16xf32>
      %select_n3A_365 = arith.select %broadcast_in_dim3A_40, %broadcast_in_dim3A_364, %select_n3A_362 : vector<16xi1>, vector<16xf32>
      %get3A_366 = arith.constant 832 : index
      %get3A_367 = tpu.vector_load %arg6[%get3A_366] {strides = array<i32>} : memref<1024xf32, #tpu.memory_space<vmem>>, vector<16xf32>,
      %mul3A_368 = arith.mulf %select_n3A_365, %get3A_367 : vector<16xf32>
      %add3A_369 = arith.addf %add3A_304, %mul3A_368 : vector<16xf32>
      %get3A_370 = arith.constant 960 : index
      %get3A_371 = tpu.vector_load %arg6[%get3A_370] {strides = array<i32>} : memref<1024xf32, #tpu.memory_space<vmem>>, vector<16xf32>,
      %mul3A_372 = arith.mulf %select_n3A_365, %get3A_371 : vector<16xf32>
      %add3A_373 = arith.addf %add3A_308, %mul3A_372 : vector<16xf32>
      %broadcast_in_dim3A_374 = arith.constant -3.40282347E+38 : f32
      %broadcast_in_dim3A_375 = vector.broadcast %broadcast_in_dim3A_374 : f32 to vector<16xf32>
      %shift_right_arithmetic3A_376 = arith.constant 0 : i32
      %shift_right_arithmetic3A_377 = arith.shrsi %arg1, %shift_right_arithmetic3A_376 : i32
      %and3A_378 = arith.constant 1 : i32
      %and3A_379 = arith.andi %shift_right_arithmetic3A_377, %and3A_378 : i32
      %eq3A_380 = arith.constant 1 : i32
      %eq3A_381 = arith.cmpi eq, %and3A_379, %eq3A_380 : i32
      %broadcast_in_dim3A_382 = vector.broadcast %eq3A_381 : i1 to vector<16xi1>
      %get3A_383 = arith.constant 336 : index
      %get3A_384 = tpu.vector_load %arg6[%get3A_383] {strides = array<i32>} : memref<1024xf32, #tpu.memory_space<vmem>>, vector<16xf32>,
      %max3A_385 = arith.maximumf %broadcast_in_dim3A_375, %get3A_384 : vector<16xf32>
      %select_n3A_386 = arith.select %broadcast_in_dim3A_382, %max3A_385, %broadcast_in_dim3A_375 : vector<16xi1>, vector<16xf32>
      %shift_right_arithmetic3A_387 = arith.constant 1 : i32
      %shift_right_arithmetic3A_388 = arith.shrsi %arg1, %shift_right_arithmetic3A_387 : i32
      %and3A_389 = arith.constant 1 : i32
      %and3A_390 = arith.andi %shift_right_arithmetic3A_388, %and3A_389 : i32
      %eq3A_391 = arith.constant 1 : i32
      %eq3A_392 = arith.cmpi eq, %and3A_390, %eq3A_391 : i32
      %broadcast_in_dim3A_393 = vector.broadcast %eq3A_392 : i1 to vector<16xi1>
      %get3A_394 = arith.constant 464 : index
      %get3A_395 = tpu.vector_load %arg6[%get3A_394] {strides = array<i32>} : memref<1024xf32, #tpu.memory_space<vmem>>, vector<16xf32>,
      %max3A_396 = arith.maximumf %select_n3A_386, %get3A_395 : vector<16xf32>
      %select_n3A_397 = arith.select %broadcast_in_dim3A_393, %max3A_396, %select_n3A_386 : vector<16xi1>, vector<16xf32>
      %shift_right_arithmetic3A_398 = arith.constant 2 : i32
      %shift_right_arithmetic3A_399 = arith.shrsi %arg1, %shift_right_arithmetic3A_398 : i32
      %and3A_400 = arith.constant 1 : i32
      %and3A_401 = arith.andi %shift_right_arithmetic3A_399, %and3A_400 : i32
      %eq3A_402 = arith.constant 1 : i32
      %eq3A_403 = arith.cmpi eq, %and3A_401, %eq3A_402 : i32
      %broadcast_in_dim3A_404 = vector.broadcast %eq3A_403 : i1 to vector<16xi1>
      %get3A_405 = arith.constant 592 : index
      %get3A_406 = tpu.vector_load %arg6[%get3A_405] {strides = array<i32>} : memref<1024xf32, #tpu.memory_space<vmem>>, vector<16xf32>,
      %max3A_407 = arith.maximumf %select_n3A_397, %get3A_406 : vector<16xf32>
      %select_n3A_408 = arith.select %broadcast_in_dim3A_404, %max3A_407, %select_n3A_397 : vector<16xi1>, vector<16xf32>
      %shift_right_arithmetic3A_409 = arith.constant 3 : i32
      %shift_right_arithmetic3A_410 = arith.shrsi %arg1, %shift_right_arithmetic3A_409 : i32
      %and3A_411 = arith.constant 1 : i32
      %and3A_412 = arith.andi %shift_right_arithmetic3A_410, %and3A_411 : i32
      %eq3A_413 = arith.constant 1 : i32
      %eq3A_414 = arith.cmpi eq, %and3A_412, %eq3A_413 : i32
      %broadcast_in_dim3A_415 = vector.broadcast %eq3A_414 : i1 to vector<16xi1>
      %get3A_416 = arith.constant 720 : index
      %get3A_417 = tpu.vector_load %arg6[%get3A_416] {strides = array<i32>} : memref<1024xf32, #tpu.memory_space<vmem>>, vector<16xf32>,
      %max3A_418 = arith.maximumf %select_n3A_408, %get3A_417 : vector<16xf32>
      %select_n3A_419 = arith.select %broadcast_in_dim3A_415, %max3A_418, %select_n3A_408 : vector<16xi1>, vector<16xf32>
      %get3A_420 = arith.constant 80 : index
      %get3A_421 = tpu.vector_load %arg6[%get3A_420] {strides = array<i32>} : memref<1024xf32, #tpu.memory_space<vmem>>, vector<16xf32>,
      %get3A_422 = arith.constant 208 : index
      %get3A_423 = tpu.vector_load %arg6[%get3A_422] {strides = array<i32>} : memref<1024xf32, #tpu.memory_space<vmem>>, vector<16xf32>,
      %max3A_424 = arith.maximumf %select_n3A_419, %get3A_421 : vector<16xf32>
      %select_n3A_425 = arith.select %broadcast_in_dim3A_44, %max3A_424, %select_n3A_419 : vector<16xi1>, vector<16xf32>
      %max3A_426 = arith.maximumf %select_n3A_425, %get3A_423 : vector<16xf32>
      %select_n3A_427 = arith.select %broadcast_in_dim3A_49, %max3A_426, %select_n3A_425 : vector<16xi1>, vector<16xf32>
      %jit3A_428 = arith.constant 0.000000e+00 : f32
      %broadcast_in_dim3A_429 = vector.broadcast %jit3A_428 : f32 to vector<16xf32>
      %select_n3A_430 = arith.select %broadcast_in_dim3A_40, %broadcast_in_dim3A_429, %select_n3A_427 : vector<16xi1>, vector<16xf32>
      %get3A_431 = arith.constant 848 : index
      %get3A_432 = tpu.vector_load %arg6[%get3A_431] {strides = array<i32>} : memref<1024xf32, #tpu.memory_space<vmem>>, vector<16xf32>,
      %mul3A_433 = arith.mulf %select_n3A_430, %get3A_432 : vector<16xf32>
      %add3A_434 = arith.addf %add3A_369, %mul3A_433 : vector<16xf32>
      %get3A_435 = arith.constant 976 : index
      %get3A_436 = tpu.vector_load %arg6[%get3A_435] {strides = array<i32>} : memref<1024xf32, #tpu.memory_space<vmem>>, vector<16xf32>,
      %mul3A_437 = arith.mulf %select_n3A_430, %get3A_436 : vector<16xf32>
      %add3A_438 = arith.addf %add3A_373, %mul3A_437 : vector<16xf32>
      %broadcast_in_dim3A_439 = arith.constant -3.40282347E+38 : f32
      %broadcast_in_dim3A_440 = vector.broadcast %broadcast_in_dim3A_439 : f32 to vector<16xf32>
      %shift_right_arithmetic3A_441 = arith.constant 0 : i32
      %shift_right_arithmetic3A_442 = arith.shrsi %arg1, %shift_right_arithmetic3A_441 : i32
      %and3A_443 = arith.constant 1 : i32
      %and3A_444 = arith.andi %shift_right_arithmetic3A_442, %and3A_443 : i32
      %eq3A_445 = arith.constant 1 : i32
      %eq3A_446 = arith.cmpi eq, %and3A_444, %eq3A_445 : i32
      %broadcast_in_dim3A_447 = vector.broadcast %eq3A_446 : i1 to vector<16xi1>
      %get3A_448 = arith.constant 352 : index
      %get3A_449 = tpu.vector_load %arg6[%get3A_448] {strides = array<i32>} : memref<1024xf32, #tpu.memory_space<vmem>>, vector<16xf32>,
      %max3A_450 = arith.maximumf %broadcast_in_dim3A_440, %get3A_449 : vector<16xf32>
      %select_n3A_451 = arith.select %broadcast_in_dim3A_447, %max3A_450, %broadcast_in_dim3A_440 : vector<16xi1>, vector<16xf32>
      %shift_right_arithmetic3A_452 = arith.constant 1 : i32
      %shift_right_arithmetic3A_453 = arith.shrsi %arg1, %shift_right_arithmetic3A_452 : i32
      %and3A_454 = arith.constant 1 : i32
      %and3A_455 = arith.andi %shift_right_arithmetic3A_453, %and3A_454 : i32
      %eq3A_456 = arith.constant 1 : i32
      %eq3A_457 = arith.cmpi eq, %and3A_455, %eq3A_456 : i32
      %broadcast_in_dim3A_458 = vector.broadcast %eq3A_457 : i1 to vector<16xi1>
      %get3A_459 = arith.constant 480 : index
      %get3A_460 = tpu.vector_load %arg6[%get3A_459] {strides = array<i32>} : memref<1024xf32, #tpu.memory_space<vmem>>, vector<16xf32>,
      %max3A_461 = arith.maximumf %select_n3A_451, %get3A_460 : vector<16xf32>
      %select_n3A_462 = arith.select %broadcast_in_dim3A_458, %max3A_461, %select_n3A_451 : vector<16xi1>, vector<16xf32>
      %shift_right_arithmetic3A_463 = arith.constant 2 : i32
      %shift_right_arithmetic3A_464 = arith.shrsi %arg1, %shift_right_arithmetic3A_463 : i32
      %and3A_465 = arith.constant 1 : i32
      %and3A_466 = arith.andi %shift_right_arithmetic3A_464, %and3A_465 : i32
      %eq3A_467 = arith.constant 1 : i32
      %eq3A_468 = arith.cmpi eq, %and3A_466, %eq3A_467 : i32
      %broadcast_in_dim3A_469 = vector.broadcast %eq3A_468 : i1 to vector<16xi1>
      %get3A_470 = arith.constant 608 : index
      %get3A_471 = tpu.vector_load %arg6[%get3A_470] {strides = array<i32>} : memref<1024xf32, #tpu.memory_space<vmem>>, vector<16xf32>,
      %max3A_472 = arith.maximumf %select_n3A_462, %get3A_471 : vector<16xf32>
      %select_n3A_473 = arith.select %broadcast_in_dim3A_469, %max3A_472, %select_n3A_462 : vector<16xi1>, vector<16xf32>
      %shift_right_arithmetic3A_474 = arith.constant 3 : i32
      %shift_right_arithmetic3A_475 = arith.shrsi %arg1, %shift_right_arithmetic3A_474 : i32
      %and3A_476 = arith.constant 1 : i32
      %and3A_477 = arith.andi %shift_right_arithmetic3A_475, %and3A_476 : i32
      %eq3A_478 = arith.constant 1 : i32
      %eq3A_479 = arith.cmpi eq, %and3A_477, %eq3A_478 : i32
      %broadcast_in_dim3A_480 = vector.broadcast %eq3A_479 : i1 to vector<16xi1>
      %get3A_481 = arith.constant 736 : index
      %get3A_482 = tpu.vector_load %arg6[%get3A_481] {strides = array<i32>} : memref<1024xf32, #tpu.memory_space<vmem>>, vector<16xf32>,
      %max3A_483 = arith.maximumf %select_n3A_473, %get3A_482 : vector<16xf32>
      %select_n3A_484 = arith.select %broadcast_in_dim3A_480, %max3A_483, %select_n3A_473 : vector<16xi1>, vector<16xf32>
      %get3A_485 = arith.constant 96 : index
      %get3A_486 = tpu.vector_load %arg6[%get3A_485] {strides = array<i32>} : memref<1024xf32, #tpu.memory_space<vmem>>, vector<16xf32>,
      %get3A_487 = arith.constant 224 : index
      %get3A_488 = tpu.vector_load %arg6[%get3A_487] {strides = array<i32>} : memref<1024xf32, #tpu.memory_space<vmem>>, vector<16xf32>,
      %max3A_489 = arith.maximumf %select_n3A_484, %get3A_486 : vector<16xf32>
      %select_n3A_490 = arith.select %broadcast_in_dim3A_44, %max3A_489, %select_n3A_484 : vector<16xi1>, vector<16xf32>
      %max3A_491 = arith.maximumf %select_n3A_490, %get3A_488 : vector<16xf32>
      %select_n3A_492 = arith.select %broadcast_in_dim3A_49, %max3A_491, %select_n3A_490 : vector<16xi1>, vector<16xf32>
      %jit3A_493 = arith.constant 0.000000e+00 : f32
      %broadcast_in_dim3A_494 = vector.broadcast %jit3A_493 : f32 to vector<16xf32>
      %select_n3A_495 = arith.select %broadcast_in_dim3A_40, %broadcast_in_dim3A_494, %select_n3A_492 : vector<16xi1>, vector<16xf32>
      %get3A_496 = arith.constant 864 : index
      %get3A_497 = tpu.vector_load %arg6[%get3A_496] {strides = array<i32>} : memref<1024xf32, #tpu.memory_space<vmem>>, vector<16xf32>,
      %mul3A_498 = arith.mulf %select_n3A_495, %get3A_497 : vector<16xf32>
      %add3A_499 = arith.addf %add3A_434, %mul3A_498 : vector<16xf32>
      %get3A_500 = arith.constant 992 : index
      %get3A_501 = tpu.vector_load %arg6[%get3A_500] {strides = array<i32>} : memref<1024xf32, #tpu.memory_space<vmem>>, vector<16xf32>,
      %mul3A_502 = arith.mulf %select_n3A_495, %get3A_501 : vector<16xf32>
      %add3A_503 = arith.addf %add3A_438, %mul3A_502 : vector<16xf32>
      %reduce_sum3A = arith.constant true
      %reduce_sum3A_504 = vector.broadcast %reduce_sum3A : i1 to vector<16xi1>
      %reduce_sum3A_505 = tpu.scan <sum>, %add3A_499 masked %reduce_sum3A_504 : vector<16xf32>, vector<16xi1> -> vector<16xf32>
      %reduce_sum3A_506 = vector.extract %reduce_sum3A_505[15] : f32 from vector<16xf32>
      %broadcast_in_dim3A_507 = vector.broadcast %reduce_sum3A_506 : f32 to vector<16xf32>
      %reduce_sum3A_508 = arith.constant true
      %reduce_sum3A_509 = vector.broadcast %reduce_sum3A_508 : i1 to vector<16xi1>
      %reduce_sum3A_510 = tpu.scan <sum>, %add3A_503 masked %reduce_sum3A_509 : vector<16xf32>, vector<16xi1> -> vector<16xf32>
      %reduce_sum3A_511 = vector.extract %reduce_sum3A_510[15] : f32 from vector<16xf32>
      %broadcast_in_dim3A_512 = vector.broadcast %reduce_sum3A_511 : f32 to vector<16xf32>
      %max3A_513 = arith.maximumf %broadcast_in_dim3A_507, %broadcast_in_dim3A_512 : vector<16xf32>
      %sub3A = arith.subf %broadcast_in_dim3A_507, %max3A_513 : vector<16xf32>
      %exp3A = math.exp %sub3A : vector<16xf32>
      %sub3A_514 = arith.subf %broadcast_in_dim3A_512, %max3A_513 : vector<16xf32>
      %exp3A_515 = math.exp %sub3A_514 : vector<16xf32>
      %add3A_516 = arith.addf %exp3A, %exp3A_515 : vector<16xf32>
      %mul3A_517 = arith.constant 2 : i32
      %mul3A_518 = arith.muli %mul3A_517, %scan3A_34 : i32
      %eq3A_519 = vector.broadcast %mul3A_518 : i32 to vector<16xi32>
      %eq3A_520 = arith.cmpi eq, %iota3A, %eq3A_519 : vector<16xi32>
      %div3A = arith.divf %exp3A, %add3A_516 : vector<16xf32>
      %select_n3A_521 = arith.select %eq3A_520, %div3A, %scan3A_35 : vector<16xi1>, vector<16xf32>
      %mul3A_522 = arith.constant 2 : i32
      %mul3A_523 = arith.muli %mul3A_522, %scan3A_34 : i32
      %add3A_524 = arith.constant 1 : i32
      %add3A_525 = arith.addi %mul3A_523, %add3A_524 : i32
      %eq3A_526 = vector.broadcast %add3A_525 : i32 to vector<16xi32>
      %eq3A_527 = arith.cmpi eq, %iota3A, %eq3A_526 : vector<16xi32>
      %div3A_528 = arith.divf %exp3A_515, %add3A_516 : vector<16xf32>
      %select_n3A_529 = arith.select %eq3A_527, %div3A_528, %select_n3A_521 : vector<16xi1>, vector<16xf32>
      scf.yield %select_n3A_529 : vector<16xf32>
    }
    %scan3A_11 = arith.constant 4 : i32
    %swap3A = arith.constant 0 : index
    %swap3A_12 = tpu.vector_load %arg7[%swap3A] {strides = array<i32>} : memref<16xf32, #tpu.memory_space<vmem>>, vector<16xf32>,
    tpu.vector_store %arg7[%swap3A], %scan3A_10 {strides = array<i32>} : memref<16xf32, #tpu.memory_space<vmem>>, vector<16xf32>,
    %mul3A_13 = arith.constant 16 : i32
    %mul3A_14 = arith.muli %arg1, %mul3A_13 : i32
    "tpu.region"() ({
      %run_scoped3A = tpu.sem_alloc : memref<!tpu.dma_semaphore, #tpu.memory_space<semaphore_mem>>
      %dma_start3A_34 = tpu.memref_slice %arg11[%mul3A_14] : memref<256xf32, #tpu.memory_space<vmem_shared>> -> memref<16xf32, #tpu.memory_space<vmem_shared>>
      %dma_start3A_35 = tpu.memref_slice %arg11[%mul3A_14] : memref<256xf32, #tpu.memory_space<vmem_shared>> -> memref<16xf32, #tpu.memory_space<vmem_shared>>
      tpu.enqueue_dma source(%arg7 : memref<16xf32, #tpu.memory_space<vmem>>) target(%dma_start3A_35 : memref<16xf32, #tpu.memory_space<vmem_shared>>) target_semaphore(%run_scoped3A : memref<!tpu.dma_semaphore, #tpu.memory_space<semaphore_mem>>)
      %dma_wait3A_36 = tpu.memref_slice %arg11[%mul3A_14] : memref<256xf32, #tpu.memory_space<vmem_shared>> -> memref<16xf32, #tpu.memory_space<vmem_shared>>
      %dma_wait3A_37 = tpu.memref_slice %arg11[%mul3A_14] : memref<256xf32, #tpu.memory_space<vmem_shared>> -> memref<16xf32, #tpu.memory_space<vmem_shared>>
      tpu.wait_dma2 semaphore(%run_scoped3A : memref<!tpu.dma_semaphore, #tpu.memory_space<semaphore_mem>>) src(%arg7 : memref<16xf32, #tpu.memory_space<vmem>>) dst(%dma_wait3A_37 : memref<16xf32, #tpu.memory_space<vmem_shared>>)
      tpu.yield
    }) : () -> ()
    %dma_wait3A = tpu.memref_slice %arg2[%mul3A_4] : memref<65536xi32, #tpu.memory_space<hbm>> -> memref<4096xi32, #tpu.memory_space<hbm>>
    %dma_wait3A_15 = tpu.memref_slice %arg2[%mul3A_4] : memref<65536xi32, #tpu.memory_space<hbm>> -> memref<4096xi32, #tpu.memory_space<hbm>>
    tpu.wait_dma2 semaphore(%arg12 : memref<!tpu.dma_semaphore, #tpu.memory_space<semaphore_mem>>) src(%dma_wait3A_15 : memref<4096xi32, #tpu.memory_space<hbm>>) dst(%arg5 : memref<4096xi32, #tpu.memory_space<vmem>>)
    %broadcast_in_dim3A_16 = arith.constant 1 : i32
    %broadcast_in_dim3A_17 = vector.broadcast %broadcast_in_dim3A_16 : i32 to vector<16xi32>
    %scan3A_18 = arith.constant 0 : i32
    %scan3A_19 = arith.constant 0 : i32
    %scan3A_20 = arith.constant 64 : i32
    %scan3A_21 = arith.addi %scan3A_19, %scan3A_20 : i32
    %scan3A_22 = arith.constant 1 : i32
    %scan3A_23 = scf.for %scan3A_34 = %scan3A_19 to %scan3A_21 step %scan3A_22 iter_args(%scan3A_35 = %scan3A_18) -> (i32)  : i32 {
      %shift_right_arithmetic3A = arith.constant 3 : i32
      %shift_right_arithmetic3A_36 = arith.shrsi %scan3A_34, %shift_right_arithmetic3A : i32
      %and3A = arith.constant 7 : i32
      %and3A_37 = arith.andi %scan3A_34, %and3A : i32
      %mul3A_38 = arith.constant 16 : i32
      %mul3A_39 = arith.muli %and3A_37, %mul3A_38 : i32
      %mul3A_40 = arith.constant 512 : i32
      %mul3A_41 = arith.muli %shift_right_arithmetic3A_36, %mul3A_40 : i32
      %add3A_42 = arith.addi %mul3A_41, %mul3A_39 : i32
      %get3A = arith.index_cast %add3A_42 : i32 to index
      %get3A_43 = tpu.vector_load %arg5[%get3A] {strides = array<i32>} : memref<4096xi32, #tpu.memory_space<vmem>>, vector<16xi32>,
      %add3A_44 = arith.constant 128 : i32
      %add3A_45 = arith.addi %add3A_42, %add3A_44 : i32
      %get3A_46 = arith.index_cast %add3A_45 : i32 to index
      %get3A_47 = tpu.vector_load %arg5[%get3A_46] {strides = array<i32>} : memref<4096xi32, #tpu.memory_space<vmem>>, vector<16xi32>,
      %add3A_48 = arith.constant 256 : i32
      %add3A_49 = arith.addi %add3A_42, %add3A_48 : i32
      %get3A_50 = arith.index_cast %add3A_49 : i32 to index
      %get3A_51 = tpu.vector_load %arg5[%get3A_50] {strides = array<i32>} : memref<4096xi32, #tpu.memory_space<vmem>>, vector<16xi32>,
      %add3A_52 = arith.constant 384 : i32
      %add3A_53 = arith.addi %add3A_42, %add3A_52 : i32
      %get3A_54 = arith.index_cast %add3A_53 : i32 to index
      %get3A_55 = tpu.vector_load %arg5[%get3A_54] {strides = array<i32>} : memref<4096xi32, #tpu.memory_space<vmem>>, vector<16xi32>,
      %shift_left3A = arith.shli %broadcast_in_dim3A_17, %get3A_43 : vector<16xi32>
      %shift_left3A_56 = arith.shli %broadcast_in_dim3A_17, %get3A_47 : vector<16xi32>
      %or3A = arith.ori %shift_left3A, %shift_left3A_56 : vector<16xi32>
      %shift_left3A_57 = arith.shli %broadcast_in_dim3A_17, %get3A_51 : vector<16xi32>
      %or3A_58 = arith.ori %or3A, %shift_left3A_57 : vector<16xi32>
      %shift_left3A_59 = arith.shli %broadcast_in_dim3A_17, %get3A_55 : vector<16xi32>
      %or3A_60 = arith.ori %or3A_58, %shift_left3A_59 : vector<16xi32>
      %shift_right_arithmetic3A_61 = arith.constant 2 : i32
      %shift_right_arithmetic3A_62 = vector.broadcast %shift_right_arithmetic3A_61 : i32 to vector<16xi32>
      %shift_right_arithmetic3A_63 = arith.shrsi %or3A_60, %shift_right_arithmetic3A_62 : vector<16xi32>
      %mul3A_64 = arith.constant 16 : i32
      %mul3A_65 = vector.broadcast %mul3A_64 : i32 to vector<16xi32>
      %mul3A_66 = arith.muli %shift_right_arithmetic3A_63, %mul3A_65 : vector<16xi32>
      %and3A_67 = arith.constant 3 : i32
      %and3A_68 = vector.broadcast %and3A_67 : i32 to vector<16xi32>
      %and3A_69 = arith.andi %or3A_60, %and3A_68 : vector<16xi32>
      %mul3A_70 = arith.constant 2 : i32
      %mul3A_71 = vector.broadcast %mul3A_70 : i32 to vector<16xi32>
      %mul3A_72 = arith.muli %and3A_69, %mul3A_71 : vector<16xi32>
      %add3A_73 = arith.addi %mul3A_66, %mul3A_72 : vector<16xi32>
      %mul3A_74 = arith.constant 16 : i32
      %mul3A_75 = arith.muli %scan3A_34, %mul3A_74 : i32
      %swap3A_76 = arith.index_cast %mul3A_75 : i32 to index
      %swap3A_77 = tpu.vector_load %arg10[%swap3A_76] {strides = array<i32>} : memref<1024xi32, #tpu.memory_space<vmem>>, vector<16xi32>,
      tpu.vector_store %arg10[%swap3A_76], %add3A_73 {strides = array<i32>} : memref<1024xi32, #tpu.memory_space<vmem>>, vector<16xi32>,
      %scan3A_78 = arith.constant 0 : i32
      scf.yield %scan3A_78 : i32
    }
    %scan3A_24 = arith.constant 64 : i32
    %barrier3A = arith.constant 0 : index
    tpu.barrier barrier_id(%barrier3A)
    "tpu.region"() ({
      %run_scoped3A = tpu.sem_alloc : memref<!tpu.dma_semaphore, #tpu.memory_space<semaphore_mem>>
      tpu.enqueue_dma source(%arg11 : memref<256xf32, #tpu.memory_space<vmem_shared>>) target(%arg8 : memref<256xf32, #tpu.memory_space<vmem>>) target_semaphore(%run_scoped3A : memref<!tpu.dma_semaphore, #tpu.memory_space<semaphore_mem>>)
      tpu.wait_dma2 semaphore(%run_scoped3A : memref<!tpu.dma_semaphore, #tpu.memory_space<semaphore_mem>>) src(%arg11 : memref<256xf32, #tpu.memory_space<vmem_shared>>) dst(%arg8 : memref<256xf32, #tpu.memory_space<vmem>>)
      tpu.yield
    }) : () -> ()
    %scan3A_25 = arith.constant 0 : i32
    %scan3A_26 = arith.constant 0 : i32
    %scan3A_27 = arith.constant 64 : i32
    %scan3A_28 = arith.addi %scan3A_26, %scan3A_27 : i32
    %scan3A_29 = arith.constant 1 : i32
    %scan3A_30 = scf.for %scan3A_34 = %scan3A_26 to %scan3A_28 step %scan3A_29 iter_args(%scan3A_35 = %scan3A_25) -> (i32)  : i32 {
      %shift_right_arithmetic3A = arith.constant 3 : i32
      %shift_right_arithmetic3A_36 = arith.shrsi %scan3A_34, %shift_right_arithmetic3A : i32
      %and3A = arith.constant 7 : i32
      %and3A_37 = arith.andi %scan3A_34, %and3A : i32
      %mul3A_38 = arith.constant 16 : i32
      %mul3A_39 = arith.muli %and3A_37, %mul3A_38 : i32
      %mul3A_40 = arith.constant 16 : i32
      %mul3A_41 = arith.muli %scan3A_34, %mul3A_40 : i32
      %get3A = arith.index_cast %mul3A_41 : i32 to index
      %get3A_42 = tpu.vector_load %arg10[%get3A] {strides = array<i32>} : memref<1024xi32, #tpu.memory_space<vmem>>, vector<16xi32>,
      %gather3A = tpu.vector_load_idx %arg8[%get3A_42] : memref<256xf32, #tpu.memory_space<vmem>>[vector<16xi32>], vector<16xf32>,
      %add3A_43 = arith.constant 1 : i32
      %add3A_44 = vector.broadcast %add3A_43 : i32 to vector<16xi32>
      %add3A_45 = arith.addi %get3A_42, %add3A_44 : vector<16xi32>
      %gather3A_46 = tpu.vector_load_idx %arg8[%add3A_45] : memref<256xf32, #tpu.memory_space<vmem>>[vector<16xi32>], vector<16xf32>,
      %mul3A_47 = arith.constant 256 : i32
      %mul3A_48 = arith.muli %shift_right_arithmetic3A_36, %mul3A_47 : i32
      %add3A_49 = arith.addi %mul3A_48, %mul3A_39 : i32
      %swap3A_50 = arith.index_cast %add3A_49 : i32 to index
      %swap3A_51 = tpu.vector_load %arg9[%swap3A_50] {strides = array<i32>} : memref<2048xf32, #tpu.memory_space<vmem>>, vector<16xf32>,
      tpu.vector_store %arg9[%swap3A_50], %gather3A {strides = array<i32>} : memref<2048xf32, #tpu.memory_space<vmem>>, vector<16xf32>,
      %add3A_52 = arith.constant 128 : i32
      %add3A_53 = arith.addi %add3A_49, %add3A_52 : i32
      %swap3A_54 = arith.index_cast %add3A_53 : i32 to index
      %swap3A_55 = tpu.vector_load %arg9[%swap3A_54] {strides = array<i32>} : memref<2048xf32, #tpu.memory_space<vmem>>, vector<16xf32>,
      tpu.vector_store %arg9[%swap3A_54], %gather3A_46 {strides = array<i32>} : memref<2048xf32, #tpu.memory_space<vmem>>, vector<16xf32>,
      %scan3A_56 = arith.constant 0 : i32
      scf.yield %scan3A_56 : i32
    }
    %scan3A_31 = arith.constant 64 : i32
    %mul3A_32 = arith.constant 2 : i32
    %mul3A_33 = arith.muli %mul3A_2, %mul3A_32 : i32
    "tpu.region"() ({
      %run_scoped3A = tpu.sem_alloc : memref<!tpu.dma_semaphore, #tpu.memory_space<semaphore_mem>>
      %dma_start3A_34 = tpu.memref_slice %arg4[%mul3A_33] : memref<32768xf32, #tpu.memory_space<hbm>> -> memref<2048xf32, #tpu.memory_space<hbm>>
      %dma_start3A_35 = tpu.memref_slice %arg4[%mul3A_33] : memref<32768xf32, #tpu.memory_space<hbm>> -> memref<2048xf32, #tpu.memory_space<hbm>>
      tpu.enqueue_dma source(%arg9 : memref<2048xf32, #tpu.memory_space<vmem>>) target(%dma_start3A_35 : memref<2048xf32, #tpu.memory_space<hbm>>) target_semaphore(%run_scoped3A : memref<!tpu.dma_semaphore, #tpu.memory_space<semaphore_mem>>)
      %dma_wait3A_36 = tpu.memref_slice %arg4[%mul3A_33] : memref<32768xf32, #tpu.memory_space<hbm>> -> memref<2048xf32, #tpu.memory_space<hbm>>
      %dma_wait3A_37 = tpu.memref_slice %arg4[%mul3A_33] : memref<32768xf32, #tpu.memory_space<hbm>> -> memref<2048xf32, #tpu.memory_space<hbm>>
      tpu.wait_dma2 semaphore(%run_scoped3A : memref<!tpu.dma_semaphore, #tpu.memory_space<semaphore_mem>>) src(%arg9 : memref<2048xf32, #tpu.memory_space<vmem>>) dst(%dma_wait3A_37 : memref<2048xf32, #tpu.memory_space<hbm>>)
      tpu.yield
    }) : () -> ()
    return
  }
}

</mosaic_0001>

<sc_bundles>
// kernel: kernel.3.cloned.1.call-start
scs
__scs_entry_jumppad:
0x0: {  	(pc) =	sbr.rel $0x88, $3  }
0x1: {  	(tag) =	ssettag $0x0;
	lr =	simm.s32 $0x1  }
0x2: {  	[smem:$0x3F9D] =	sst lr;
	_ =	strace $0xD0000000  }
0x3: {  	_ = 	snop  }
0x4: {  	_ = 	snop  }
0x5: {  	_ = 	snop  }
0x6: {  	_ = 	snop  }
0x7: {  	_ = 	snop  }
__scs_overlays_trampoline_lowered:
0x8: {  	[smem:$0x3FAC] =	sst s0  }
0x9: {  	[smem:$0x3FAD] =	sst s1  }
0xa: {  	[smem:$0x3FAE] =	sst s2  }
0xb: {  	[smem:$0x3FAF] =	sst s3  }
0xc: {  	[smem:$0x3FB0] =	sst s4  }
0xd: {  	[smem:$0x3FB1] =	sst s5  }
0xe: {  	[smem:$0x3FB2] =	sst s6  }
0xf: {  	[smem:$0x3FB3] =	sst s7  }
0x10: {  	[smem:$0x3FB4] =	sst s8  }
0x11: {  	[smem:$0x3FB5] =	sst s9;
	s0 =	simm.s32 @!p0 $0x0  }
0x12: {  	s1 =	sld [smem:$0x3F9B];
	s0 =	simm.s32 @p0 $0x1  }
0x13: {  	[smem:$0x3FB6] =	sst s0;
	s0 =	simm.s32 @!p1 $0x0  }
0x14: {  	s2 =	sld [smem:$0x3F9A];
	s0 =	simm.s32 @p1 $0x1  }
0x15: {  	[smem:$0x3FB7] =	sst s0;
	s0 =	simm.s32 @!p2 $0x0  }
0x16: {  	s3 =	sld [smem:$0x3FDB];
	s0 =	simm.s32 @p2 $0x1  }
0x17: {  	s4 =	simm.s32 $0x1BF5;
	[smem:$0x3FB9] =	sst s0  }
0x18: {  	s0 =	sld [smem:$0x3F9C];
	_ =	swait.ge [sflag:s4], $0x0  }
0x19: {  	s7 =	sld [smem:$0x3F9D]  }
0x1a: {  	s8 =	sadd.s32 $0xFFFFE003, lr  }
0x1b: {  	s9 =	sadd.s32 $0xFFFFFEF7, lr;
	s5 =	simm.s32 $0xFFFFFFFF;
	p2 =	slt.u32 s8, $0xFFFFF086  }
0x1c: {  	p1 =	slt.u32 s9, $0xF7A;
	s5 =	simm.s32 @!p2 $0x0  }
0x1d: {  	s5 =	simm.s32 @p1 $0x1;
	p0 =	seq.s32 s7, s2  }
0x1e: {  	s7 =	smul.u32 @!p0 $0xF7A, s2;
	p2 =	seq.s32 @!p0 s5, $0x0  }
0x1f: {  	s9 =	smul.u32 $0xF7A, s1;
	s8 =	simm.s32 @!p0 $0x1BF5;
	p2 =	por !p2, p0  }
0x20: {  	[sflag:s8] =	ssyncset.s32 @!p0 $0xFFFFF086;
	s6 =	sadd.s32 @!p0 s3, s7;
	s7 =	simm.s32 @!p0 $0x108  }
0x21: {  	s3 =	sadd.s32 s3, s9;
	s6 =	sadd.s32 @!p0 $0x88, s6;
	s7 =	simm.s32 @p2 $0x1082  }
0x22: {  	[simem:s7], [sflag:s8] =	dma.local @!p0 [hbm:s6], $0xF7A  }
0x23: {  	s9 =	sor.u32 $0xD0000000, s2;
	s6 =	simm.s32 $0x108;
	_ =	swait.ge @!p0 [sflag:s8], $0x0  }
0x24: {  	s3 =	sadd.s32 $0x88, s3;
	s6 =	simm.s32 @!p1 $0x1082;
	[sflag:s4] =	ssyncset.s32 $0xFFFFF086  }
0x25: {  	[simem:s6], [sflag:s4] =	dma.local [hbm:s3], $0xF7A  }
0x26: {  	[smem:$0x3F9D] =	sst s1;
	(tag) =	ssettag s2;
	_ =	strace s9  }
0x27: {  	s1 =	sld [smem:$0x3FAD]  }
0x28: {  	s2 =	sld [smem:$0x3FAE]  }
0x29: {  	s4 =	sld [smem:$0x3FB0]  }
0x2a: {  	p0 =	seq.s32 s5, $0x0;
	s5 =	sld [smem:$0x3FB1]  }
0x2b: {  	s6 =	sld [smem:$0x3FB2]  }
0x2c: {  	s7 =	sld [smem:$0x3FB3]  }
0x2d: {  	s3 =	simm.s32 $0x108;
	s8 =	sld [smem:$0x3FB4]  }
0x2e: {  	s3 =	simm.s32 @!p0 $0x1082;
	s9 =	sld [smem:$0x3FB5]  }
0x2f: {  	lr =	sadd.s32 s0, s3;
	s0 =	sld [smem:$0x3FAC]  }
0x30: {  	s3 =	sld [smem:$0x3FAF]  }
0x31: {  	[smem:$0x3FB8] =	sst s10  }
0x32: {  	s10 =	sld [smem:$0x3FB6];
	_ =	sdelay $0x3  }
0x33: {  	p0 =	seq.s32 s10, $0x1;
	s10 =	sld [smem:$0x3FB8];
	_ =	sdelay $0x3  }
0x34: {  	[smem:$0x3FB8] =	sst s10  }
0x35: {  	s10 =	sld [smem:$0x3FB7];
	_ =	sdelay $0x3  }
0x36: {  	p1 =	seq.s32 s10, $0x1;
	s10 =	sld [smem:$0x3FB8];
	_ =	sdelay $0x3  }
0x37: {  	[smem:$0x3FB8] =	sst s10  }
0x38: {  	s10 =	sld [smem:$0x3FB9]  }
0x39: {  	_ = 	snop;
	(pc) =	sbr.ind lr, $3  }
0x3a: {  	_ = 	snop  }
0x3b: {  	_ = 	snop  }
0x3c: {  	p2 =	seq.s32 s10, $0x1;
	s10 =	sld [smem:$0x3FB8]  }
0x3d: {  	_ =	shalt  }
0x3e: {  	_ =	shalt  }
0x3f: {  	_ =	shalt  }
0x40: {  	_ =	shalt  }
0x41: {  	_ =	shalt  }
0x42: {  	_ =	shalt  }
0x43: {  	_ =	shalt  }
0x44: {  	_ =	shalt  }
0x45: {  	_ =	shalt  }
0x46: {  	_ =	shalt  }
0x47: {  	_ =	shalt  }
0x48: {  	_ =	shalt  }
0x49: {  	_ =	shalt  }
0x4a: {  	_ =	shalt  }
0x4b: {  	_ =	shalt  }
0x4c: {  	_ =	shalt  }
0x4d: {  	_ =	shalt  }
0x4e: {  	_ =	shalt  }
0x4f: {  	_ =	shalt  }
0x50: {  	_ =	shalt  }
0x51: {  	_ =	shalt  }
0x52: {  	_ =	shalt  }
0x53: {  	_ =	shalt  }
0x54: {  	_ =	shalt  }
0x55: {  	_ =	shalt  }
0x56: {  	_ =	shalt  }
0x57: {  	_ =	shalt  }
0x58: {  	_ =	shalt  }
0x59: {  	_ =	shalt  }
0x5a: {  	_ =	shalt  }
0x5b: {  	_ =	shalt  }
0x5c: {  	_ =	shalt  }
0x5d: {  	_ =	shalt  }
0x5e: {  	_ =	shalt  }
0x5f: {  	_ =	shalt  }
0x60: {  	_ =	shalt  }
0x61: {  	_ =	shalt  }
0x62: {  	_ =	shalt  }
0x63: {  	_ =	shalt  }
0x64: {  	_ =	shalt  }
0x65: {  	_ =	shalt  }
0x66: {  	_ =	shalt  }
0x67: {  	_ =	shalt  }
0x68: {  	_ =	shalt  }
0x69: {  	_ =	shalt  }
0x6a: {  	_ =	shalt  }
0x6b: {  	_ =	shalt  }
0x6c: {  	_ =	shalt  }
0x6d: {  	_ =	shalt  }
0x6e: {  	_ =	shalt  }
0x6f: {  	_ =	shalt  }
0x70: {  	_ =	shalt  }
0x71: {  	_ =	shalt  }
0x72: {  	_ =	shalt  }
0x73: {  	_ =	shalt  }
0x74: {  	_ =	shalt  }
0x75: {  	_ =	shalt  }
0x76: {  	_ =	shalt  }
0x77: {  	_ =	shalt  }
0x78: {  	_ =	shalt  }
0x79: {  	_ =	shalt  }
0x7a: {  	_ =	shalt  }
0x7b: {  	_ =	shalt  }
0x7c: {  	_ =	shalt  }
0x7d: {  	_ =	shalt  }
0x7e: {  	_ =	shalt  }
0x7f: {  	_ =	shalt  }
0x80: {  	_ =	shalt  }
0x81: {  	_ =	shalt  }
0x82: {  	_ =	shalt  }
0x83: {  	_ =	shalt  }
0x84: {  	_ =	shalt  }
0x85: {  	_ =	shalt  }
0x86: {  	_ =	shalt  }
0x87: {  	_ =	shalt  }
.Lfunc_end0:
.L_simem_size_0:
called_computation_lowered:
.L_overlay_start_0:
0x88: {  	s0 =	sld [smem:$0x3FD9]  }
0x89: {  	s1 =	sld [smem:$0x3FFE];
	_ =	sdelay $0x3  }
0x8a: {  	s0 =	sadd.s32 s1, s0  }
0x8b: {  	[smem:$0x3FC4] =	sst s0  }
0x8c: {  	_ = 	snop  }
0x8d: {  	s0 =	sld [smem:$0x3FC9]  }
0x8e: {  	s16 =	sld [smem:$0x3FD0];
	(tm) =	ssettm $0x1  }
0x8f: {  	s2 =	sld [smem:$0x3FFB];
	_ =	sdelay $0x3  }
0x90: {  	_ =	strace s2  }
0x91: {  	s2 =	sld [smem:$0x3FFC];
	_ =	sdelay $0x3  }
0x92: {  	_ =	strace s2  }
0x93: {  	s2 =	sld [smem:$0x3FFD];
	_ =	sdelay $0x3  }
0x94: {  	_ =	strace s2  }
0x95: {  	_ =	strace $0x8FFFFFFF  }
0x96: {  	s17 =	sld [smem:$0x3FDB];
	_ =	sdelay $0x1  }
0x97: {  	s3 =	simm.s32 $_scs_section_size  }
0x98: {  	s4 =	simm.s32 $_size__tile_overlayer_lowered;
	s5 =	simm.s32 $_tile_overlayer_lowered  }
0x99: {  	s20 =	simm.s32 $0x1BFF;
	s19 =	sshll.u32 s5, $0x1;
	s2 =	sadd.s32 s3, s17  }
0x9a: {  	s6 =	simm.s32 $0x0;
	s18 =	sshll.u32 s4, $0x1;
	s4 =	sadd.s32 s19, s2  }
0x9b: {  	[timem:s6], [sflag:s20] =	dma.local [hbm:s4], s18  }
0x9c: {  	_ =	swait.ge [sflag:s20], s18  }
0x9d: {  	s3 =	ssub.s32 $0x0, s18;
	[sflag:s20] =	ssyncset.done $0x0  }
0x9e: {  	[sflag:s20] =	ssyncadd.s32 s3;
	_ =	sdelay $0x1  }
0x9f: {  	s21 =	simm.s32 $0x1B8B  }
0xa0: {  	_ =	swait.ge [sflag:s21], $0x1  }
0xa1: {  	[sflag:s21] =	ssyncset.done $0x0  }
0xa2: {  	s23 =	simm.s32 $0x1B8E;
	s22 =	sld [smem:$0x3FFE];
	[sflag:s21] =	ssyncadd.s32 $0xFFFFFFFF  }
0xa3: {  	s24 =	simm.s32 $execute0_lowered;
	[smem:$0x3FD2] =	sst s23  }
0xa4: {  	s4 =	sshll.u32 s24, $0x1;
	_ =	strace $0x80000046;
	[dreg:$0x1] =	wrdreg $0xFFFFFFFF  }
0xa5: {  	s25 =	simm.s32 $_size_execute0_lowered;
	s2 =	sadd.s32 s2, s4;
	[dreg:$0x0] =	wrdreg $0x0  }
0xa6: {  	s4 =	sshll.u32 s25, $0x1;
	[dreg:$0x2] =	wrdreg s2  }
0xa7: {  	[dreg:$0x3] =	wrdreg s4  }
0xa8: {  	[dreg:$0x4] =	wrdreg $0xC0  }
0xa9: {  	_ =	task [dreg:s6], $0x5FFFF  }
0xaa: {  	[dreg:$0x1] =	wrdreg $0xFFFFFFFF  }
0xab: {  	[dreg:$0x0] =	wrdreg $0x60  }
0xac: {  	[dreg:$0x2] =	wrdreg s0  }
0xad: {  	[dreg:$0x3] =	wrdreg s22  }
0xae: {  	[dreg:$0x4] =	wrdreg s16  }
0xaf: {  	[dreg:$0x5] =	wrdreg $0x21800  }
0xb0: {  	[dreg:$0x6] =	wrdreg $0x9  }
0xb1: {  	_ =	task.clear_ibuf [dreg:s6], $0x7FFFF;
	_ =	strace $0x90000046  }
0xb2: {  	s26 =	simm.s32 $0x9;
	_ =	strace $0x80000048  }
0xb3: {  	_ =	swait.ge [sflag:s26], $0x1  }
0xb4: {  	[sflag:s26] =	ssyncadd.s32 $0xFFFFFFFF  }
0xb5: {  	_ =	strace $0x90000048  }
0xb6: {  	_ =	sfence  }
0xb7: {  	s28 =	sld [smem:$0x0];
	_ =	sdelay $0x1  }
0xb8: {  	s29 =	srdreg.scid  }
0xb9: {  	s30 =	sshll.u32 s29, $0xD;
	s31 =	sshrl.u32 s29, $0x2  }
0xba: {  	s1 =	sand.u32 $0x1, s29;
	s2 =	sand.u32 $0x4000, s30;
	s0 =	sadd.s32 s31, s28  }
0xbb: {  	s1 =	sor.u32 s2, s1;
	s0 =	sshll.u32 s0, $0x11  }
0xbc: {  	s0 =	sor.u32 s0, s1  }
0xbd: {  	s0 =	sadd.s32 $0x8F2B, s0  }
0xbe: {  	[sflag:s0] =	ssyncadd.remote.s32 $0x1  }
0xbf: {  	_ =	sfence.sel $0xFFFF  }
0xc0: {  	[dreg:$0x0] =	wrdreg $0xFFFFFFFF;
	(pc) =	sbr.abs _section_cstart, $3  }
0xc1: {  	[dreg:$0x1] =	wrdreg $0xFFFFFFFF  }
0xc2: {  	_ =	task.clear_ibuf [dreg:s6], $0x2FFFF;
	_ =	strace $0x9FFFFFFF  }
0xc3: {  	(tm) =	ssettm $0x7FFFFFFF  }
tec
execute0_lowered:
.L_overlay_start_1:
0x0: {  	(tag) =	ssettag $0x1  }
0x1: {  	s5 =	rddreg [dreg:$0x0]  }
0x2: {  	s6 =	rddreg [dreg:$0x1]  }
0x3: {  	s2 =	rddreg [dreg:$0x2]  }
0x4: {  	s3 =	rddreg [dreg:$0x3];
	s4 =	simm.s32 $0x0;
	s1 =	stileid.u32  }
0x5: {  	[smem:$0x7FF] =	sst s4;
	s7 =	sshll.u32 s1, $0x9  }
0x6: {  	s0 =	rddreg [dreg:$0x4];
	_ =	strace $0x80000047;
	s5 =	sadd.s32 s5, s7  }
0x7: {  	[tilespmem:s4], [sflag:$0x1] =	stream.linear.gather [hbm4b:s5+s4], $0x1000, $0x38;
	[tilespmem:$0x2190] =	vst v63  }
0x8: {  	s24 =	simm.s32 $0x1000;
	s25 =	simm.s32 $0x2;
	s23 =	sadd.s32 $0xA00, s6  }
0x9: {  	[tilespmem:s24], [sflag:$0x2] =	stream.linear.gather [hbm4b:s23+s4], $0x400, $0x38;
	[tilespmem:$0x2190] =	vst v63  }
0xa: {  	_ =	swait.ge [sflag:s25], $0x400  }
0xb: {  	[sflag:s25] =	ssyncset.done $0x0  }
0xc: {  	[sflag:s25] =	ssyncadd.s32 $0xFFFFFC00  }
0xd: {  	v3 =	vld [tilespmem:$0x1100]  }
0xe: {  	v4 =	vld [tilespmem:$0x1180]  }
0xf: {  	v5 =	vld [tilespmem:$0x1200]  }
0x10: {  	v6 =	vld [tilespmem:$0x1280]  }
0x11: {  	v7 =	vld [tilespmem:$0x1000]  }
0x12: {  	v2 =	vld [tilespmem:$0x1080]  }
0x13: {  	v1 =	vld [tilespmem:$0x1300]  }
0x14: {  	v0 =	vld [tilespmem:$0x1380]  }
0x15: {  	v8 =	vld [tilespmem:$0x1110]  }
0x16: {  	v9 =	vld [tilespmem:$0x1190]  }
0x17: {  	v10 =	vld [tilespmem:$0x1210]  }
0x18: {  	v11 =	vld [tilespmem:$0x1290]  }
0x19: {  	v12 =	vld [tilespmem:$0x1010]  }
0x1a: {  	v13 =	vld [tilespmem:$0x1120]  }
0x1b: {  	v14 =	vld [tilespmem:$0x11A0]  }
0x1c: {  	s26 =	sand.u32 $0x1, s1;
	v15 =	vld [tilespmem:$0x1220]  }
0x1d: {  	s28 =	sshrl.u32 s1, $0x1;
	p3 =	seq.s32 s26, $0x1;
	v16 =	vld [tilespmem:$0x12A0];
	v3 =	vmax.f32 v3, $-3.402823470e+38  }
0x1e: {  	s5 =	sand.u32 $0x1, s28;
	v17 =	vld [tilespmem:$0x1020];
	v3 =	vpsel !p3, $0xFF7FFFFF, v3  }
0x1f: {  	s29 =	sshrl.u32 s1, $0x2;
	p2 =	seq.s32 s5, $0x1;
	v18 =	vld [tilespmem:$0x1130];
	v4 =	vmax.f32 v3, v4  }
0x20: {  	s5 =	sand.u32 $0x1, s29;
	v19 =	vld [tilespmem:$0x11B0];
	v3 =	vpsel p2, v4, v3  }
0x21: {  	p1 =	seq.s32 s5, $0x1;
	v20 =	vld [tilespmem:$0x12B0];
	v4 =	vmax.f32 v3, v5  }
0x22: {  	v21 =	vld [tilespmem:$0x1030];
	v3 =	vpsel p1, v4, v3  }
0x23: {  	p0 =	sgt.u32 s1, $0x7;
	v22 =	vld [tilespmem:$0x1140];
	v4 =	vmax.f32 v3, v6  }
0x24: {  	v5 =	vld [tilespmem:$0x1230];
	v6 =	vmax.f32 v8, $-3.402823470e+38;
	v8 =	vmax.f32 v18, $-3.402823470e+38;
	v3 =	vpsel p0, v4, v3  }
0x25: {  	v23 =	vld [tilespmem:$0x12C0];
	v6 =	vpsel !p3, $0xFF7FFFFF, v6;
	v4 =	vmax.f32 v3, v7;
	v7 =	vmax.f32 v13, $-3.402823470e+38  }
0x26: {  	v24 =	vld [tilespmem:$0x1050];
	v8 =	vpsel !p3, $0xFF7FFFFF, v8;
	v9 =	vmax.f32 v6, v9;
	v7 =	vpsel !p3, $0xFF7FFFFF, v7  }
0x27: {  	v25 =	vld [tilespmem:$0x1060];
	v6 =	vpsel p2, v9, v6;
	v9 =	vmax.f32 v8, v19;
	v14 =	vmax.f32 v7, v14  }
0x28: {  	v13 =	vld [tilespmem:$0x11C0];
	v10 =	vmax.f32 v6, v10;
	v8 =	vpsel p2, v9, v8;
	v7 =	vpsel p2, v14, v7  }
0x29: {  	v6 =	vpsel p1, v10, v6;
	v5 =	vmax.f32 v8, v5;
	v14 =	vmax.f32 v7, v15;
	v15 =	vld [tilespmem:$0x1150]  }
0x2a: {  	v9 =	vmax.f32 v6, v11;
	v11 =	vpsel p1, v5, v8;
	v7 =	vpsel p1, v14, v7;
	v14 =	vld [tilespmem:$0x1160]  }
0x2b: {  	v5 =	vpsel p0, v9, v6;
	v9 =	vmax.f32 v11, v20;
	v10 =	vmax.f32 v7, v16;
	v16 =	vld [tilespmem:$0x11D0]  }
0x2c: {  	v20 =	vld [tilespmem:$0x11E0];
	v9 =	vpsel p0, v9, v11  }
0x2d: {  	v18 =	vld [tilespmem:$0x1240];
	v6 =	vpsel p0, v10, v7;
	v7 =	vmax.f32 v5, v12;
	v10 =	vmax.f32 v9, v21  }
0x2e: {  	v11 =	vld [tilespmem:$0x1250];
	v12 =	vmax.f32 v22, $-3.402823470e+38;
	v8 =	vmax.f32 v6, v17;
	v15 =	vmax.f32 v15, $-3.402823470e+38  }
0x2f: {  	v19 =	vld [tilespmem:$0x1040];
	v12 =	vpsel !p3, $0xFF7FFFFF, v12;
	v15 =	vpsel !p3, $0xFF7FFFFF, v15;
	v14 =	vmax.f32 v14, $-3.402823470e+38  }
0x30: {  	s30 =	sand.u32 $0x1, s4;
	v17 =	vld [tilespmem:$0x1260];
	v13 =	vmax.f32 v12, v13;
	v16 =	vmax.f32 v15, v16;
	v14 =	vpsel !p3, $0xFF7FFFFF, v14  }
0x31: {  	v21 =	vld [tilespmem:$0x12D0];
	v12 =	vpsel p2, v13, v12;
	p3 =	seq.s32 s30, $0x1;
	v13 =	vpsel p2, v16, v15;
	v15 =	vmax.f32 v14, v20  }
0x32: {  	v22 =	vld [tilespmem:$0x12E0];
	v16 =	vmax.f32 v12, v18;
	v29 =	vpsel p3, v7, v5;
	v26 =	vpsel p3, v4, v3  }
0x33: {  	v31 =	vpsel p3, v8, v6;
	v33 =	vpsel p3, v10, v9;
	v18 =	vmax.f32 v13, v11;
	v11 =	vld [tilespmem:$0x1090]  }
0x34: {  	v14 =	vpsel p2, v15, v14;
	v15 =	vpsel p1, v16, v12;
	v12 =	vld [tilespmem:$0x10D0];
	v28 =	vmax.f32 v26, v2  }
0x35: {  	p4 =	por $0x0, $0x0;
	s6 =	sshll.u32 s1, $0x2;
	v16 =	vpsel p1, v18, v13;
	v13 =	vmax.f32 v14, v17;
	v17 =	vmax.f32 v15, v23;
	v23 =	vld [tilespmem:$0x1310]  }
0x36: {  	p5 =	seq.s32 s6, $0x0;
	v28 =	vpsel p4, v28, v26;
	v26 =	vld [tilespmem:$0x1320];
	v18 =	vmax.f32 v16, v21;
	v20 =	vpsel p1, v13, v14  }
0x37: {  	v13 =	vpsel p0, v17, v15;
	v15 =	vld [tilespmem:$0x10E0];
	v34 =	vpsel p5, $0x0, v28;
	v14 =	vpsel p0, v18, v16  }
0x38: {  	v18 =	vmax.f32 v20, v22;
	v16 =	vld [tilespmem:$0x10A0];
	v17 =	vmax.f32 v13, v19;
	v36 =	vmul.f32 v34, v1  }
0x39: {  	v21 =	vld [tilespmem:$0x10B0];
	v34 =	vmul.f32 v34, v0;
	v19 =	vmax.f32 v14, v24;
	v20 =	vpsel p0, v18, v20  }
0x3a: {  	v18 =	vpsel p3, v17, v13;
	v22 =	vmax.f32 v20, v25;
	v27 =	vpsel p3, v19, v14;
	v25 =	vld [tilespmem:$0x1390]  }
0x3b: {  	v24 =	vld [tilespmem:$0x10C0];
	v30 =	vmax.f32 v29, v11;
	v36 =	vadd.f32 $0.0e+00, v36;
	v34 =	vadd.f32 $0.0e+00, v34  }
0x3c: {  	v28 =	vld [tilespmem:$0x13A0];
	v37 =	vpsel p3, v22, v20;
	v38 =	vmax.f32 v27, v12;
	v29 =	vpsel p4, v30, v29  }
0x3d: {  	v30 =	vld [tilespmem:$0x1330];
	v39 =	vmax.f32 v37, v15;
	v41 =	vpsel p5, $0x0, v29;
	v32 =	vmax.f32 v31, v16  }
0x3e: {  	v35 =	vmax.f32 v33, v21;
	v29 =	vld [tilespmem:$0x13B0];
	v42 =	vmul.f32 v41, v23;
	v32 =	vpsel p4, v32, v31  }
0x3f: {  	v35 =	vpsel p4, v35, v33;
	v31 =	vld [tilespmem:$0x1340];
	v43 =	vpsel p5, $0x0, v32;
	v41 =	vmul.f32 v41, v25  }
0x40: {  	v40 =	vmax.f32 v18, v24;
	v32 =	vld [tilespmem:$0x13C0];
	v36 =	vadd.f32 v42, v36;
	v44 =	vmul.f32 v43, v26  }
0x41: {  	v33 =	vld [tilespmem:$0x1350];
	v51 =	vpsel p5, $0x0, v35;
	v43 =	vmul.f32 v43, v28;
	v41 =	vadd.f32 v41, v34  }
0x42: {  	v18 =	vpsel p4, v40, v18;
	v45 =	vmul.f32 v51, v30;
	v34 =	vld [tilespmem:$0x13D0];
	v52 =	vadd.f32 v44, v36  }
0x43: {  	v35 =	vld [tilespmem:$0x1360];
	v18 =	vpsel p5, $0x0, v18;
	v42 =	vmul.f32 v51, v29;
	v41 =	vadd.f32 v43, v41  }
0x44: {  	v27 =	vpsel p4, v38, v27;
	v36 =	vld [tilespmem:$0x13E0];
	v53 =	vmul.f32 v18, v31;
	v40 =	vadd.f32 v45, v52  }
0x45: {  	v27 =	vpsel p5, $0x0, v27;
	v18 =	vmul.f32 v18, v32;
	v41 =	vadd.f32 v42, v41  }
0x46: {  	v37 =	vpsel p4, v39, v37;
	v54 =	vmul.f32 v27, v33;
	v38 =	vadd.f32 v53, v40  }
0x47: {  	v37 =	vpsel p5, $0x0, v37;
	v27 =	vmul.f32 v27, v34;
	v18 =	vadd.f32 v18, v41  }
0x48: {  	v55 =	vmul.f32 v37, v35;
	v38 =	vadd.f32 v54, v38  }
0x49: {  	v18 =	vadd.f32 v27, v18;
	v27 =	vmul.f32 v37, v36  }
0x4a: {  	v56 =	vadd.f32 v55, v38  }
0x4b: {  	v18 =	vadd.f32 v27, v18  }
0x4c: {  	(xrf2) =	vadd.scan.msk.f32 $0xffff, v56  }
0x4d: {  	(xrf2) =	vadd.scan.msk.f32 $0xffff, v18  }
0x4e: {  	s5 =	simm.s32 $0x1  }
0x4f: {  	s31 =	sand.u32 $0x1, s5  }
0x50: {  	p6 =	seq.s32 s31, $0x1  }
0x51: {  	v61 =	vpsel p6, v4, v3  }
0x52: {  	v50 =	vmax.f32 v61, v2;
	v58 =	vpsel p6, v7, v5;
	v60 =	vpsel p6, v10, v9;
	p1 =	por $0x0, $0x0  }
0x53: {  	v59 =	vpsel p6, v8, v6;
	v62 =	vpsel p1, v50, v61;
	v57 =	vpsel p6, v19, v14  }
0x54: {  	v46 =	vmax.f32 v57, v12;
	v48 =	vmax.f32 v60, v21;
	v39 =	vpsel p6, v17, v13  }
0x55: {  	p2 =	seq.s32 s6, $0xFFFFFFFF;
	v47 =	vmax.f32 v59, v16;
	v48 =	vpsel p1, v48, v60;
	v51 =	vmax.f32 v58, v11  }
0x56: {  	v43 =	vpsel p2, $0x0, v48;
	v45 =	vpsel p1, v47, v59;
	v47 =	vpsel p1, v51, v58;
	v49, _, _ =	vpop (xrf2)  }
0x57: {  	v40 =	vpsel p1, v46, v57;
	v46 =	vpsel p2, $0x0, v62;
	v41 =	vmax.f32 v39, v24;
	v63, _, _ =	vpop (xrf2)  }
0x58: {  	v37 =	vpsel p6, v22, v20;
	v44 =	vbroadcast v49, $0xF;
	v42 =	vbroadcast v63, $0xF  }
0x59: {  	s7 =	simm.s32 $0x2;
	v38 =	vmax.f32 v37, v15;
	v27 =	vimm.f32 $0.0e+00;
	v18 =	vlaneseq.u32  }
.LBB2_1:
0x5a: {  	p0 =	sne.s32 s7, $0x3;
	v48 =	vmul.f32 v46, v1;
	v45 =	vpsel p2, $0x0, v45;
	v49 =	vmax.f32 v44, v42  }
0x5b: {  	v47 =	vpsel p2, $0x0, v47;
	v50 =	vmul.f32 v43, v30;
	v44 =	vsub.f32 v44, v49  }
0x5c: {  	v51 =	vmul.f32 v47, v23;
	v42 =	vsub.f32 v42, v49;
	v48 =	vadd.f32 $0.0e+00, v48  }
0x5d: {  	v39 =	vpsel p1, v41, v39;
	v49 =	vmul.f32 v45, v26;
	v41 =	vmul.f32 $1.442695020e+00, v44  }
0x5e: {  	v44 =	vmul.f32 v46, v0;
	v42 =	vmul.f32 $1.442695020e+00, v42;
	v46 =	vadd.f32 v51, v48  }
0x5f: {  	v47 =	vmul.f32 v47, v25;
	v39 =	vpsel p2, $0x0, v39;
	(erf) = vpow2.f32 v41  }
0x60: {  	v41 =	vadd.f32 $0.0e+00, v44;
	v44 =	vadd.f32 v49, v46;
	(erf) = vpow2.f32 v42  }
0x61: {  	v40 =	vpsel p2, $0x0, v40;
	v37 =	vpsel p1, v38, v37;
	v42 =	vmul.f32 v39, v31  }
0x62: {  	v38 =	vadd.f32 v47, v41;
	v41 =	vmul.f32 v45, v28;
	v44 =	vadd.f32 v50, v44  }
0x63: {  	v37 =	vpsel p2, $0x0, v37;
	v45 =	vmul.f32 v40, v33  }
0x64: {  	v38 =	vadd.f32 v41, v38;
	v41 =	vmul.f32 v43, v29;
	v42 =	vadd.f32 v42, v44  }
0x65: {  	v43 =	vmul.f32 v37, v35  }
0x66: {  	v39 =	vmul.f32 v39, v32;
	v38 =	vadd.f32 v41, v38;
	v41 =	vadd.f32 v45, v42;
	_ =	sdelay $0x1  }
0x67: {  	v38 =	vadd.f32 v39, v38;
	v39 =	vmul.f32 v40, v34;
	v40 =	vadd.f32 v43, v41;
	v42 =	vpop (erf)  }
0x68: {  	v43 =	vpop (erf)  }
0x69: {  	v37 =	vmul.f32 v37, v36;
	v38 =	vadd.f32 v39, v38;
	(xrf2) =	vadd.scan.msk.f32 $0xffff, v40;
	v39 =	vadd.f32 v43, v42;
	_ =	sdelay $0x1  }
0x6a: {  	v37 =	vadd.f32 v37, v38;
	(erf) = vrcp.f32 v39;
	_ =	sdelay $0x1  }
0x6b: {  	(xrf2) =	vadd.scan.msk.f32 $0xffff, v37  }
0x6c: {  	s8 =	sshll.u32 s4, $0x1;
	s9 =	sshllo.u32 s4, $0x1;
	s4 =	smov.u32 s5  }
0x6d: {  	s10 =	sand.u32 $0x1, s7;
	s5 =	smov.u32 s7;
	v38 =	vmov s9;
	v37 =	vmov s8  }
0x6e: {  	p1 =	seq.s32 s10, $0x1;
	vm0 =	veq.s32 v38, v18;
	vm1 =	veq.s32 v37, v18  }
0x6f: {  	v40 =	vpsel p1, v19, v14;
	v39 =	vpsel p1, v17, v13;
	v37 =	vpsel p1, v22, v20  }
0x70: {  	v47 =	vpsel p1, v7, v5;
	v44 =	vpsel p1, v8, v6;
	v45 =	vpsel p1, v10, v9  }
0x71: {  	v46 =	vpsel p1, v4, v3;
	v48 =	vmax.f32 v40, v12;
	v38 =	vmax.f32 v37, v15;
	v49, _, _ =	vpop (xrf2)  }
0x72: {  	v50 =	vmax.f32 v44, v16;
	v51 =	vmax.f32 v45, v21;
	v41 =	vmax.f32 v39, v24;
	v52 =	vpop (erf)  }
.Ltmp0:
0x73: {  	v53 =	vmax.f32 v46, v2;
	v54 =	vmax.f32 v47, v11;
	p1 =	sgt.u32 s7, $0x1;
	v42 =	vmul.f32 v52, v42;
	(pc) =	sbr.rel @p0 .LBB2_1-.Ltmp0, $4  }
0x74: {  	v51 =	vpsel p1, v51, v45;
	v40 =	vpsel p1, v48, v40;
	v43 =	vmul.f32 v52, v43  }
0x75: {  	s8 =	ssub.s32 $0x0, s7;
	v46 =	vpsel p1, v53, v46;
	v45 =	vpsel p1, v50, v44;
	v48, _, _ =	vpop (xrf2);
	v27 =	vsel vm1, v42, v27  }
0x76: {  	p2 =	seq.s32 s8, s6;
	v44 =	vbroadcast v49, $0xF;
	v42 =	vbroadcast v48, $0xF;
	v27 =	vsel vm0, v43, v27  }
0x77: {  	s7 =	sadd.s32 $0x1, s7;
	v47 =	vpsel p1, v54, v47;
	v46 =	vpsel p2, $0x0, v46;
	v43 =	vpsel p2, $0x0, v51  }
0x78: {  	v1 =	vmul.f32 v46, v1  }
0x79: {  	v2 =	vpsel p2, $0x0, v47;
	v0 =	vmul.f32 v46, v0  }
0x7a: {  	v3 =	vmul.f32 v2, v23;
	v1 =	vadd.f32 $0.0e+00, v1  }
0x7b: {  	v4 =	vpsel p2, $0x0, v45;
	v2 =	vmul.f32 v2, v25;
	v0 =	vadd.f32 $0.0e+00, v0  }
0x7c: {  	v5 =	vmul.f32 v4, v26;
	v1 =	vadd.f32 v3, v1  }
0x7d: {  	v0 =	vadd.f32 v2, v0;
	v2 =	vmul.f32 v4, v28  }
0x7e: {  	v54 =	vpsel p1, v41, v39;
	v3 =	vmul.f32 v43, v30;
	v1 =	vadd.f32 v5, v1  }
0x7f: {  	v4 =	vpsel p2, $0x0, v54;
	v0 =	vadd.f32 v2, v0;
	v2 =	vmul.f32 v43, v29  }
0x80: {  	v55 =	vmul.f32 v4, v31;
	v1 =	vadd.f32 v3, v1  }
0x81: {  	v3 =	vpsel p2, $0x0, v40;
	v0 =	vadd.f32 v2, v0;
	v2 =	vmul.f32 v4, v32  }
0x82: {  	v56 =	vpsel p1, v38, v37;
	v6 =	vmul.f32 v3, v33;
	v1 =	vadd.f32 v55, v1  }
0x83: {  	v4 =	vpsel p2, $0x0, v56;
	v0 =	vadd.f32 v2, v0;
	v2 =	vmul.f32 v3, v34  }
0x84: {  	v3 =	vmul.f32 v4, v35;
	v1 =	vadd.f32 v6, v1  }
0x85: {  	v0 =	vadd.f32 v2, v0;
	v2 =	vmul.f32 v4, v36  }
0x86: {  	v1 =	vadd.f32 v3, v1  }
0x87: {  	v0 =	vadd.f32 v2, v0  }
0x88: {  	v2 =	vmax.f32 v44, v42;
	(xrf2) =	vadd.scan.msk.f32 $0xffff, v1  }
0x89: {  	v1 =	vsub.f32 v44, v2;
	(xrf2) =	vadd.scan.msk.f32 $0xffff, v0  }
0x8a: {  	v0 =	vsub.f32 v42, v2  }
0x8b: {  	v1 =	vmul.f32 $1.442695020e+00, v1  }
0x8c: {  	v0 =	vmul.f32 $1.442695020e+00, v0  }
0x8d: {  	(erf) = vpow2.f32 v1  }
0x8e: {  	(erf) = vpow2.f32 v0;
	_ =	sdelay $0x3  }
0x8f: {  	v0, _, _ =	vpop (xrf2)  }
0x90: {  	v1, _, _ =	vpop (xrf2)  }
0x91: {  	v0 =	vbroadcast v0, $0xF;
	v1 =	vbroadcast v1, $0xF;
	_ =	sdelay $0x1  }
0x92: {  	v2 =	vpop (erf);
	v3 =	vmax.f32 v0, v1  }
0x93: {  	v57 =	vpop (erf);
	v0 =	vsub.f32 v0, v3  }
0x94: {  	v58 =	vadd.f32 v57, v2;
	v1 =	vsub.f32 v1, v3  }
0x95: {  	v0 =	vmul.f32 $1.442695020e+00, v0  }
0x96: {  	(erf) = vrcp.f32 v58;
	v1 =	vmul.f32 $1.442695020e+00, v1  }
0x97: {  	(erf) = vpow2.f32 v0  }
0x98: {  	(erf) = vpow2.f32 v1;
	_ =	sdelay $0x6  }
0x99: {  	v0 =	vpop (erf)  }
0x9a: {  	v1 =	vpop (erf)  }
0x9b: {  	v3 =	vpop (erf)  }
0x9c: {  	v59 =	vadd.f32 v3, v1;
	_ =	sdelay $0x1  }
0x9d: {  	(erf) = vrcp.f32 v59;
	_ =	sdelay $0x5  }
0x9e: {  	s6 =	sshll.u32 s4, $0x1  }
0x9f: {  	s22 =	sshllo.u32 s4, $0x1;
	v60 =	vmov s6;
	v2 =	vmul.f32 v0, v2  }
0xa0: {  	v61 =	vmov s22;
	vm0 =	veq.s32 v60, v18;
	v0 =	vmul.f32 v0, v57  }
0xa1: {  	s23 =	sshll.u32 s5, $0x1;
	vm1 =	veq.s32 v61, v18;
	v2 =	vsel vm0, v2, v27;
	v62 =	vpop (erf)  }
0xa2: {  	s24 =	sshllo.u32 s5, $0x1;
	v0 =	vsel vm1, v0, v2;
	v2 =	vmov s23;
	v1 =	vmul.f32 v62, v1  }
0xa3: {  	v63 =	vmov s24;
	vm14 =	veq.s32 v2, v18;
	v2 =	vmul.f32 v62, v3  }
0xa4: {  	vm15 =	veq.s32 v63, v18;
	v0 =	vsel vm14, v1, v0  }
0xa5: {  	s25 =	sshll.u32 s1, $0x4;
	v0 =	vsel vm15, v2, v0  }
0xa6: {  	s26 =	simm.s32 $0x1400;
	s28 =	simm.s32 $0x2;
	s4 =	sadd.s32 s25, s3;
	[tilespmem:$0x1400] =	vst v0  }
0xa7: {  	[spmem:s4] =	stream.linear.scatter [tilespmem:s26], [sflag:$0x2], $0x10, $0x38;
	[tilespmem:$0x2190] =	vst v63  }
0xa8: {  	_ =	swait.ge [sflag:s28], $0x10  }
0xa9: {  	[sflag:s28] =	ssyncset.done $0x0  }
0xaa: {  	s29 =	simm.s32 $0x1;
	s5 =	simm.s32 $0x0;
	[sflag:s28] =	ssyncadd.s32 $0xFFFFFFF0  }
0xab: {  	s30 =	sand.u32 $0x70, s5;
	_ =	swait.ge [sflag:s29], $0x1000  }
0xac: {  	s31 =	sand.u32 $0xE00, s5;
	s6 =	simm.s32 $0x10;
	[sflag:s29] =	ssyncset.done $0x0  }
0xad: {  	s7 =	sor.u32 s30, s31;
	v0 =	vimm.s32 $0x1;
	s4 =	simm.s32 $0x0;
	[sflag:s29] =	ssyncadd.s32 $0xFFFFF000  }
.LBB2_3:
0xae: {  	p0 =	sne.s32 s6, $0x3F0;
	v1 =	vld [tilespmem:s7+$0x80]  }
0xaf: {  	v2 =	vld [tilespmem:s7+$0x0]  }
0xb0: {  	v3 =	vld [tilespmem:s7+$0x100]  }
0xb1: {  	v4 =	vld [tilespmem:s7+$0x180];
	_ =	sdelay $0x2  }
0xb2: {  	v1 =	vshll.u32 v0, v1;
	v2 =	vshll.u32 v0, v2  }
0xb3: {  	v1 =	vor.u32 v2, v1;
	v2 =	vshll.u32 v0, v3  }
0xb4: {  	v1 =	vor.u32 v2, v1;
	v2 =	vshll.u32 v0, v4  }
.Ltmp1:
0xb5: {  	v1 =	vor.u32 v2, v1;
	(pc) =	sbr.rel @p0 .LBB2_3-.Ltmp1, $4  }
0xb6: {  	v2 =	vshll.u32 v1, $0x2;
	v1 =	vshll.u32 v1, $0x1  }
0xb7: {  	s5 =	sadd.s32 $0x40, s5;
	v2 =	vand.u32 $0xFFFFFFF0, v2;
	v1 =	vand.u32 $0x6, v1  }
0xb8: {  	s4 =	sshra.s32 s4, $0x2;
	s8 =	sand.u32 $0xE00, s5;
	s7 =	sand.u32 $0x70, s6;
	v1 =	vor.u32 v1, v2  }
0xb9: {  	s6 =	sadd.s32 $0x10, s6;
	s7 =	sor.u32 s7, s8;
	[tilespmem:s4+$0x1D80] =	vst v1;
	s4 =	smov.u32 s5  }
0xba: {  	v1 =	vld [tilespmem:s7+$0x80]  }
0xbb: {  	v2 =	vld [tilespmem:s7+$0x0]  }
0xbc: {  	v3 =	vld [tilespmem:s7+$0x100]  }
0xbd: {  	v4 =	vld [tilespmem:s7+$0x180];
	_ =	sdelay $0x2  }
0xbe: {  	v2 =	vshll.u32 v0, v2;
	v1 =	vshll.u32 v0, v1  }
0xbf: {  	v1 =	vor.u32 v2, v1;
	v2 =	vshll.u32 v0, v3  }
0xc0: {  	v0 =	vshll.u32 v0, v4;
	v1 =	vor.u32 v2, v1  }
0xc1: {  	v0 =	vor.u32 v0, v1  }
0xc2: {  	v1 =	vshll.u32 v0, $0x2;
	v0 =	vshll.u32 v0, $0x1  }
0xc3: {  	v1 =	vand.u32 $0xFFFFFFF0, v1;
	v0 =	vand.u32 $0x6, v0  }
0xc4: {  	s4 =	sshra.s32 s4, $0x2;
	v0 =	vor.u32 v0, v1  }
0xc5: {  	[tilespmem:s4+$0x1D80] =	vst v0  }
0xc6: {  	s30 =	simm.s32 $0x2;
	s4 =	simm.s32 $0x1480;
	[bflag:$0x0] =	sbarrier.arrive $0xFFFF  }
0xc7: {  	[tilespmem:s4], [sflag:$0x2] =	stream.linear.gather [spmem:s3], $0x100, $0x38;
	[tilespmem:$0x2190] =	vst v63  }
0xc8: {  	_ =	swait.ge [sflag:s30], $0x100  }
0xc9: {  	[sflag:s30] =	ssyncset.done $0x0  }
0xca: {  	s3 =	simm.s32 $0x1D80;
	[sflag:s30] =	ssyncadd.s32 $0xFFFFFF00  }
0xcb: {  	v0 =	vld [tilespmem:s3+$0x0];
	_ =	sdelay $0x4  }
0xcc: {  	v1 =	vadd.s32 $0x1, v0;
	_ =	sdelay $0x3  }
0xcd: {  	v2 =	vld.idx.msk [tilespmem:v0+s4+$0x0], $0xffff  }
0xce: {  	v0 =	vld.idx.msk [tilespmem:v1+s4+$0x0], $0xffff  }
0xcf: {  	s5 =	simm.s32 $0x0  }
0xd0: {  	s6 =	sand.u32 $0x70, s5;
	s31 =	sand.u32 $0x700, s5  }
0xd1: {  	s7 =	sor.u32 s6, s31  }
0xd2: {  	s6 =	simm.s32 $0x10;
	[tilespmem:s7+$0x1580] =	vst v2  }
.LBB2_5:
0xd3: {  	p0 =	sne.s32 s6, $0x3F0;
	[tilespmem:s7+$0x1600] =	vst v0;
	s5 =	sadd.s32 $0x20, s5;
	s3 =	sadd.s32 $0x10, s3  }
0xd4: {  	s7 =	smov.u32 s6;
	s6 =	sadd.s32 $0x10, s6;
	v0 =	vld [tilespmem:s3+$0x0];
	_ =	sdelay $0x4  }
0xd5: {  	v1 =	vadd.s32 $0x1, v0;
	_ =	sdelay $0x3  }
0xd6: {  	v2 =	vld.idx.msk [tilespmem:v0+s4+$0x0], $0xffff  }
0xd7: {  	v0 =	vld.idx.msk [tilespmem:v1+s4+$0x0], $0xffff  }
.Ltmp2:
0xd8: {  	(pc) =	sbr.rel @p0 .LBB2_5-.Ltmp2, $4  }
0xd9: {  	_ = 	snop  }
0xda: {  	s7 =	sand.u32 $0x70, s7;
	s8 =	sand.u32 $0x700, s5  }
0xdb: {  	s7 =	sor.u32 s7, s8  }
0xdc: {  	[tilespmem:s7+$0x1580] =	vst v2  }
0xdd: {  	s3 =	sshll.u32 s1, $0x8;
	s30 =	simm.s32 $0x0  }
0xde: {  	[tilespmem:s7+$0x1600] =	vst v0;
	s4 =	simm.s32 $0x1580;
	s31 =	simm.s32 $0x2;
	s2 =	sadd.s32 s2, s3  }
0xdf: {  	[hbm4b:s2+s30] =	stream.linear.scatter [tilespmem:s4], [sflag:$0x2], $0x800, $0x38;
	[tilespmem:$0x2190] =	vst v63  }
0xe0: {  	_ =	swait.ge [sflag:s31], $0x800  }
0xe1: {  	[sflag:s31] =	ssyncset.done $0x0  }
0xe2: {  	[sflag:s31] =	ssyncadd.s32 $0xFFFFF800  }
0xe3: {  	_ =	sfence.sel $0x180000  }
0xe4: {  	[bflag:$0x0] =	sbarrier.arrive $0xFFFF  }
0xe5: {  	p0 =	sne.s32 s1, $0x0;
	_ =	strace $0x90000047  }
0xe6: {  	s0 =	sadd.s32 @!p0 $0x100000, s0;
	[bflag:$0x2] =	sbarrier.arrive $0xFFFF  }
0xe7: {  	[sflag:s0] =	ssyncadd.tile.s32 @!p0 $0x1;
	_ =	shalt  }
.Lfunc_end2:
_tile_overlayer_lowered:
.L_overlay_start_2:
0xe8: {  	(tag) =	ssettag $0x2  }
0xe9: {  	s0 =	rddreg [dreg:$0x0];
	s2 =	stileid.u32  }
0xea: {  	s1 =	rddreg [dreg:$0x1];
	p0 =	sne.s32 s2, $0x0  }
0xeb: {  	s3 =	rddreg [dreg:$0x2];
	[bflag:$0x3] =	sbarrier.arrive $0xFFFF;
	s2 =	simm.s32 @!p0 $0x1C02  }
0xec: {  	[timem:s3], [sflag:s2] =	dma.local @!p0 [hbm:s0], s1  }
0xed: {  	s0 =	simm.s32 @!p0 $0x2  }
0xee: {  	_ =	swait.ge @!p0 [sflag:s0], s1  }
0xef: {  	s1 =	ssub.s32 @!p0 $0x0, s1;
	[sflag:s0] =	ssyncset.done @!p0 $0x0  }
0xf0: {  	[sflag:s0] =	ssyncadd.s32 @!p0 s1  }
0xf1: {  	[bflag:$0x3] =	sbarrier.arrive $0xFFFF  }
0xf2: {  	_ =	shalt  }

</sc_bundles>
